<compile_context>
chip_gen: v7x
topology: tpu7x:2x2x1
jax: 0.10.2.dev20260603
libtpu: 0.0.44.dev20260713+nightly
codegen_flags: <defaults>
</compile_context>

<pallas_src>
import dataclasses
import functools

import jax
import jax.numpy as jnp
from jax import lax
from jax.experimental import pallas as pl
from jax.experimental.pallas import tpu as pltpu
from jax.experimental.pallas import tpu_sc as plsc

NC = 2
NS = 16
NW = NC * NS
L = 16


def _sc_aggregate(x, edges_flat, npred, n, d, e, p, e_per_w, k, rnd):
    p_pad = p + 128
    rows_per_sub = p_pad // NS
    p_per_w = p // NW
    p_per_sub = p // NS
    nrounds = e_per_w // rnd
    kept_cap = rnd + 3 * k + L

    zeros_agg = jnp.zeros((rows_per_sub, d), jnp.float32)

    mesh = plsc.VectorSubcoreMesh(core_axis_name="c", subcore_axis_name="s",
                                  num_cores=NC, num_subcores=NS)

    cp = pltpu.CompilerParams()
    if "needs_layout_passes" in pltpu.CompilerParams.__dataclass_fields__:
        cp = dataclasses.replace(cp, needs_layout_passes=False)

    @functools.partial(
        pl.kernel,
        compiler_params=cp,
        out_type=(
            jax.ShapeDtypeStruct((p, d), jnp.float32),
            jax.ShapeDtypeStruct((NC, p, d), jnp.float32),
            jax.ShapeDtypeStruct((NC * p,), jnp.float32),
        ),
        mesh=mesh,
        scratch_types=[
            pltpu.VMEM((n,), jnp.int32),
            pltpu.VMEM((p,), jnp.int32),
            pltpu.VMEM((rnd,), jnp.int32),
            pltpu.VMEM((rnd,), jnp.int32),
            pltpu.VMEM((kept_cap,), jnp.int32),
            pltpu.VMEM((kept_cap,), jnp.int32),
            pltpu.VMEM((1, k), jnp.int32),
            pltpu.VMEM((2 * k, d), jnp.float32),
            pltpu.VMEM((p_pad,), jnp.float32),
            pltpu.VMEM((p_per_sub,), jnp.float32),
            pltpu.VMEM((p_per_sub,), jnp.float32),
            pltpu.VMEM((p,), jnp.float32),
            pltpu.VMEM((p_per_sub,), jnp.float32),
            pltpu.VMEM((p_per_sub,), jnp.int32),
            pltpu.VMEM_SHARED((p_pad, d), jnp.float32),
            pltpu.VMEM_SHARED((NS * p_pad,), jnp.float32),
            pltpu.VMEM_SHARED((p,), jnp.float32),
            pltpu.SemaphoreType.DMA,
        ],
    )
    def agg_kernel(x_hbm, edges_hbm, npred_hbm, zagg_hbm,
                   xg_hbm, oagg_hbm, odeg_hbm,
                   slot_tab, pidx_all, src_a, dst_a,
                   kept_src, kept_slot, slot2d_a, gbuf_a,
                   deg_loc, deg_tmp, deg_acc, deg_all, deg_out, slot_idx_v,
                   aggc_sh, degs_sh, degf_sh, sz):
        c = lax.axis_index("c")
        s = lax.axis_index("s")
        wid = s * NC + c
        ebase = wid * e_per_w

        pltpu.async_copy(
            zagg_hbm, aggc_sh.at[pl.ds(s * rows_per_sub, rows_per_sub)], sz)
        pltpu.sync_copy(npred_hbm, pidx_all)

        @pl.loop(0, p_pad // L)
        def _(i):
            deg_loc[pl.ds(i * L, L)] = jnp.zeros((L,), jnp.float32)

        @pl.loop(0, n // L)
        def _(i):
            slot_tab[pl.ds(i * L, L)] = jnp.full((L,), -1, jnp.int32)

        @pl.loop(0, p // L)
        def _(i):
            nv = pidx_all[pl.ds(i * L, L)]
            slots = lax.broadcasted_iota(jnp.int32, (L,), 0) + i * L
            plsc.store_scatter(slot_tab, [nv], slots)

        pltpu.make_async_copy(
            zagg_hbm, aggc_sh.at[pl.ds(s * rows_per_sub, rows_per_sub)],
            sz).wait()
        plsc.subcore_barrier()

        ones_v = jnp.zeros((L,), jnp.float32) + 1.0
        lane = lax.broadcasted_iota(jnp.int32, (L,), 0)

        @pl.loop(0, nrounds)
        def _(r):
            base = ebase + r * rnd
            pltpu.sync_copy(edges_hbm.at[pl.ds(base, rnd)], src_a)
            pltpu.sync_copy(edges_hbm.at[pl.ds(e + base, rnd)], dst_a)

            def filt(v, cnt):
                srcv = src_a[pl.ds(v * L, L)]
                dstv = dst_a[pl.ds(v * L, L)]
                slv = plsc.load_gather(slot_tab, [dstv])
                m = slv >= 0
                slv_safe = jnp.where(m, slv, jnp.full((L,), p, jnp.int32))
                plsc.addupdate_scatter(deg_loc, [slv_safe], ones_v, mask=m)
                plsc.store_compressed(kept_src.at[pl.ds(cnt, L)], srcv,
                                      mask=m)
                plsc.store_compressed(kept_slot.at[pl.ds(cnt, L)], slv,
                                      mask=m)
                return cnt + jnp.sum(m.astype(jnp.int32))

            cnt = lax.fori_loop(0, rnd // L, filt, jnp.int32(0))

            for i in range(k // L):
                kept_src[pl.ds(cnt + i * L, L)] = lane * 8
                kept_slot[pl.ds(cnt + i * L, L)] = lane + p

            def chunk(j, _):
                for i in range(k // L):
                    slot2d_a[0, pl.ds(i * L, L)] = \
                        kept_slot[pl.ds(j * k + i * L, L)]
                pltpu.sync_copy(x_hbm.at[kept_src.at[pl.ds(j * k, k)]],
                                gbuf_a.at[0:k])
                pltpu.sync_copy(gbuf_a.at[0:k], aggc_sh.at[slot2d_a.at[0]],
                                add=True)
                return 0

            nch = (cnt + (k - 1)) // k
            lax.fori_loop(0, nch, chunk, jnp.int32(0))

        pltpu.sync_copy(deg_loc, degs_sh.at[pl.ds(s * p_pad, p_pad)])

        pltpu.sync_copy(x_hbm.at[pidx_all.at[pl.ds(wid * p_per_w, p_per_w)]],
                        gbuf_a.at[0:p_per_w])
        pltpu.sync_copy(gbuf_a.at[0:p_per_w],
                        xg_hbm.at[pl.ds(wid * p_per_w, p_per_w)])

        plsc.subcore_barrier()

        @pl.loop(0, p_per_sub // L)
        def _(i):
            deg_acc[pl.ds(i * L, L)] = jnp.zeros((L,), jnp.float32)

        @pl.loop(0, NS)
        def _(t):
            pltpu.sync_copy(
                degs_sh.at[pl.ds(t * p_pad + s * p_per_sub, p_per_sub)],
                deg_tmp)
            for i in range(p_per_sub // L):
                plsc.addupdate(deg_acc.at[pl.ds(i * L, L)],
                               deg_tmp[pl.ds(i * L, L)])

        pltpu.sync_copy(deg_acc, degf_sh.at[pl.ds(s * p_per_sub, p_per_sub)])

        plsc.subcore_barrier()

        @pl.loop(0, p_per_sub // L)
        def _(i):
            nv = pidx_all[pl.ds(s * p_per_sub + i * L, L)]
            slot_idx_v[pl.ds(i * L, L)] = plsc.load_gather(slot_tab, [nv])

        pltpu.sync_copy(degf_sh, deg_all)

        @pl.loop(0, p_per_sub // L)
        def _(i):
            slv = slot_idx_v[pl.ds(i * L, L)]
            deg_out[pl.ds(i * L, L)] = plsc.load_gather(deg_all, [slv])

        pltpu.sync_copy(aggc_sh.at[slot_idx_v], gbuf_a.at[0:p_per_sub])
        pltpu.sync_copy(gbuf_a.at[0:p_per_sub],
                        oagg_hbm.at[c, pl.ds(s * p_per_sub, p_per_sub)])
        pltpu.sync_copy(
            deg_out, odeg_hbm.at[pl.ds(c * p + s * p_per_sub, p_per_sub)])

    return agg_kernel(x, edges_flat, npred, zeros_agg)


def _tc_head(xg, agg2, deg2, W_self, W_neigh, b2, Wp_pad, bp_pad, p, d):
    def body(xg_ref, agg_ref, deg_ref, ws_ref, wn_ref, b_ref, wp_ref, bp_ref,
             o_ref):
        agg = agg_ref[0] + agg_ref[1]
        dcol = deg_ref[0] + deg_ref[1]
        mean = agg / jnp.maximum(dcol, 1.0)
        h = (
            jnp.dot(xg_ref[...], ws_ref[...],
                    preferred_element_type=jnp.float32)
            + jnp.dot(mean, wn_ref[...],
                      preferred_element_type=jnp.float32)
            + b_ref[...]
        )
        n2 = jnp.sum(h * h, axis=1, keepdims=True)
        z = h * lax.rsqrt(jnp.maximum(n2, 1e-24))
        o_ref[...] = (
            jnp.dot(z, wp_ref[...], preferred_element_type=jnp.float32)
            + bp_ref[...]
        )

    return pl.pallas_call(
        body,
        out_shape=jax.ShapeDtypeStruct((p, d), jnp.float32),
    )(xg, agg2, deg2, W_self, W_neigh, b2, Wp_pad, bp_pad)


def kernel(x, edge_index, nodes_to_predict, W_self, W_neigh, b, W_pred,
           b_pred):
    n, d = x.shape
    e = edge_index.shape[1]
    p = nodes_to_predict.shape[0]
    c_out = W_pred.shape[1]

    e_per_w = e // NW
    k = 128
    rnd = 2000

    xg, agg2, deg2 = _sc_aggregate(x, edge_index.reshape(2 * e),
                                   nodes_to_predict, n, d, e, p, e_per_w, k,
                                   rnd)

    b2 = b.reshape(1, d)
    Wp_pad = jnp.pad(W_pred, ((0, 0), (0, d - c_out)))
    bp_pad = jnp.pad(b_pred, (0, d - c_out)).reshape(1, d)

    y_full = _tc_head(xg, agg2, deg2.reshape(NC, p, 1), W_self, W_neigh, b2,
                      Wp_pad, bp_pad, p, d)
    return y_full[:, :c_out]

# --- scband reference (transcript-rebuilt; emitter-appended) ---
"""Pipeline reference for scband-gnn-model-59167469469808 (READ-ONLY COPY).

The authoritative reference and input builder live on the scoring server;
editing this copy changes nothing except your own understanding.
"""

import jax, jax.numpy as jnp
import numpy as np

N, E, D, C, P = 10000, 320000, 128, 5, 2048

def setup_inputs(seed: int = 0) -> dict:
    key = jax.random.key(seed)
    ks = jax.random.split(key, 8)
    x = jax.random.normal(ks[0], (N, D), dtype=jnp.float32)
    edge_index = jax.random.randint(ks[1], (2, E), 0, N, dtype=jnp.int32)
    nodes_to_predict = jax.random.randint(ks[2], (P,), 0, N, dtype=jnp.int32)
    # learned parameters: SAGEConv (self + neighbor weight, bias) and prediction head W
    W_self = jax.random.normal(ks[3], (D, D), dtype=jnp.float32) * (1.0 / np.sqrt(D))
    W_neigh = jax.random.normal(ks[4], (D, D), dtype=jnp.float32) * (1.0 / np.sqrt(D))
    b = jnp.zeros((D,), dtype=jnp.float32)
    W_pred = jax.random.normal(ks[5], (D, C), dtype=jnp.float32) * (1.0 / np.sqrt(D))
    b_pred = jnp.zeros((C,), dtype=jnp.float32)
    return {"x": x, "edge_index": edge_index, "nodes_to_predict": nodes_to_predict,
            "W_self": W_self, "W_neigh": W_neigh, "b": b, "W_pred": W_pred, "b_pred": b_pred}

def reference(x, edge_index, nodes_to_predict, W_self, W_neigh, b, W_pred, b_pred):
    # SAGEConv(in=D, out=D, normalize=True): mean aggregation of neighbor messages
    src = edge_index[0]
    dst = edge_index[1]
    msgs = jnp.take(x, src, axis=0)                                   # gather  [E, D]
    agg = jax.ops.segment_sum(msgs, dst, num_segments=N)              # scatter-add [N, D]
    deg = jax.ops.segment_sum(jnp.ones((E,), dtype=x.dtype), dst, num_segments=N)
    mean_agg = agg / jnp.clip(deg, 1.0)[:, None]
    h = x @ W_self + mean_agg @ W_neigh + b
    # normalize=True -> l2-normalize output features
    z = h / jnp.clip(jnp.linalg.norm(h, axis=-1, keepdims=True), 1e-12)
    # prediction_head: y_hat = self.W(z[nodes_to_predict])  (training-mode output: raw logits)
    y_hat = jnp.take(z, nodes_to_predict, axis=0) @ W_pred + b_pred   # [P, C]
    return y_hat

if __name__ == "__main__":
    import jax
    _d = setup_inputs()
    print(jax.jit(kernel)(*tuple(_d.values())))

</pallas_src>

<mosaic_0001>
#map = affine_map<(d0, d1) -> (0, 0)>
#map1 = affine_map<(d0, d1) -> (0)>
#map2 = affine_map<(d0, d1) -> (0, 0, 0)>
module attributes {stable_mosaic.version = 14 : i64} {
  func.func @agg_kernel(%arg0: i32, %arg1: i32, %arg2: memref<10000x128xf32, #tpu.memory_space<hbm>>, %arg3: memref<640000xi32, #tpu.memory_space<hbm>>, %arg4: memref<2048xi32, #tpu.memory_space<hbm>>, %arg5: memref<136x128xf32, #tpu.memory_space<hbm>>, %arg6: memref<2048x128xf32, #tpu.memory_space<hbm>>, %arg7: memref<2x2048x128xf32, #tpu.memory_space<hbm>>, %arg8: memref<4096xf32, #tpu.memory_space<hbm>>, %arg9: memref<10000xi32, #tpu.memory_space<vmem>>, %arg10: memref<2048xi32, #tpu.memory_space<vmem>>, %arg11: memref<2000xi32, #tpu.memory_space<vmem>>, %arg12: memref<2000xi32, #tpu.memory_space<vmem>>, %arg13: memref<2400xi32, #tpu.memory_space<vmem>>, %arg14: memref<2400xi32, #tpu.memory_space<vmem>>, %arg15: memref<1x128xi32, #tpu.memory_space<vmem>>, %arg16: memref<256x128xf32, #tpu.memory_space<vmem>>, %arg17: memref<2176xf32, #tpu.memory_space<vmem>>, %arg18: memref<128xf32, #tpu.memory_space<vmem>>, %arg19: memref<128xf32, #tpu.memory_space<vmem>>, %arg20: memref<2048xf32, #tpu.memory_space<vmem>>, %arg21: memref<128xf32, #tpu.memory_space<vmem>>, %arg22: memref<128xi32, #tpu.memory_space<vmem>>, %arg23: memref<2176x128xf32, #tpu.memory_space<vmem_shared>>, %arg24: memref<34816xf32, #tpu.memory_space<vmem_shared>>, %arg25: memref<2048xf32, #tpu.memory_space<vmem_shared>>, %arg26: memref<!tpu.dma_semaphore, #tpu.memory_space<semaphore_mem>>) attributes {dimension_semantics = [#tpu.dimension_semantics<core_parallel>, #tpu.dimension_semantics<subcore_parallel>], iteration_bounds = array<i64: 2, 16>, scalar_prefetch = 0 : i64, scratch_operands = 18 : i64, tpu.core_type = #tpu.core_type<sc_vector_subcore>, window_params = [{transform_indices = #map}, {transform_indices = #map1}, {transform_indices = #map1}, {transform_indices = #map}, {transform_indices = #map}, {transform_indices = #map2}, {transform_indices = #map1}]} {
    %mul3A = arith.constant 2 : i32
    %mul3A_0 = arith.muli %arg1, %mul3A : i32
    %add3A = arith.addi %mul3A_0, %arg0 : i32
    %mul3A_1 = arith.constant 10000 : i32
    %mul3A_2 = arith.muli %add3A, %mul3A_1 : i32
    %mul3A_3 = arith.constant 136 : i32
    %mul3A_4 = arith.muli %arg1, %mul3A_3 : i32
    %dma_start3A = arith.constant 0 : i32
    %dma_start3A_5 = tpu.memref_slice %arg23[%mul3A_4, %dma_start3A] : memref<2176x128xf32, #tpu.memory_space<vmem_shared>> -> memref<136x128xf32, #tpu.memory_space<vmem_shared>>
    tpu.enqueue_dma source(%arg5 : memref<136x128xf32, #tpu.memory_space<hbm>>) target(%dma_start3A_5 : memref<136x128xf32, #tpu.memory_space<vmem_shared>>) target_semaphore(%arg26 : memref<!tpu.dma_semaphore, #tpu.memory_space<semaphore_mem>>)
    "tpu.region"() ({
      %run_scoped3A = tpu.sem_alloc : memref<!tpu.dma_semaphore, #tpu.memory_space<semaphore_mem>>
      tpu.enqueue_dma source(%arg4 : memref<2048xi32, #tpu.memory_space<hbm>>) target(%arg10 : memref<2048xi32, #tpu.memory_space<vmem>>) target_semaphore(%run_scoped3A : memref<!tpu.dma_semaphore, #tpu.memory_space<semaphore_mem>>)
      tpu.wait_dma2 semaphore(%run_scoped3A : memref<!tpu.dma_semaphore, #tpu.memory_space<semaphore_mem>>) src(%arg4 : memref<2048xi32, #tpu.memory_space<hbm>>) dst(%arg10 : memref<2048xi32, #tpu.memory_space<vmem>>)
      tpu.yield
    }) : () -> ()
    %scan3A = arith.constant 0 : i32
    %scan3A_6 = arith.constant 136 : i32
    %scan3A_7 = arith.addi %scan3A, %scan3A_6 : i32
    %scan3A_8 = arith.constant 1 : i32
    scf.for %scan3A_69 = %scan3A to %scan3A_7 step %scan3A_8  : i32 {
      %mul3A_70 = arith.constant 1 : i32
      %mul3A_71 = arith.muli %scan3A_69, %mul3A_70 : i32
      %add3A_72 = arith.constant 0 : i32
      %add3A_73 = arith.addi %add3A_72, %mul3A_71 : i32
      %broadcast_in_dim3A_74 = arith.constant 0.000000e+00 : f32
      %broadcast_in_dim3A_75 = vector.broadcast %broadcast_in_dim3A_74 : f32 to vector<16xf32>
      %mul3A_76 = arith.constant 16 : i32
      %mul3A_77 = arith.muli %add3A_73, %mul3A_76 : i32
      %swap3A = arith.index_cast %mul3A_77 : i32 to index
      %swap3A_78 = tpu.vector_load %arg17[%swap3A] {strides = array<i32>} : memref<2176xf32, #tpu.memory_space<vmem>>, vector<16xf32>,
      tpu.vector_store %arg17[%swap3A], %broadcast_in_dim3A_75 {strides = array<i32>} : memref<2176xf32, #tpu.memory_space<vmem>>, vector<16xf32>,
    }
    %scan3A_9 = arith.constant 136 : i32
    %scan3A_10 = arith.constant 0 : i32
    %scan3A_11 = arith.constant 625 : i32
    %scan3A_12 = arith.addi %scan3A_10, %scan3A_11 : i32
    %scan3A_13 = arith.constant 1 : i32
    scf.for %scan3A_69 = %scan3A_10 to %scan3A_12 step %scan3A_13  : i32 {
      %mul3A_70 = arith.constant 1 : i32
      %mul3A_71 = arith.muli %scan3A_69, %mul3A_70 : i32
      %add3A_72 = arith.constant 0 : i32
      %add3A_73 = arith.addi %add3A_72, %mul3A_71 : i32
      %broadcast_in_dim3A_74 = arith.constant -1 : i32
      %broadcast_in_dim3A_75 = vector.broadcast %broadcast_in_dim3A_74 : i32 to vector<16xi32>
      %mul3A_76 = arith.constant 16 : i32
      %mul3A_77 = arith.muli %add3A_73, %mul3A_76 : i32
      %swap3A = arith.index_cast %mul3A_77 : i32 to index
      %swap3A_78 = tpu.vector_load %arg9[%swap3A] {strides = array<i32>} : memref<10000xi32, #tpu.memory_space<vmem>>, vector<16xi32>,
      tpu.vector_store %arg9[%swap3A], %broadcast_in_dim3A_75 {strides = array<i32>} : memref<10000xi32, #tpu.memory_space<vmem>>, vector<16xi32>,
    }
    %scan3A_14 = arith.constant 625 : i32
    %scan3A_15 = arith.constant 0 : i32
    %scan3A_16 = arith.constant 128 : i32
    %scan3A_17 = arith.addi %scan3A_15, %scan3A_16 : i32
    %scan3A_18 = arith.constant 1 : i32
    scf.for %scan3A_69 = %scan3A_15 to %scan3A_17 step %scan3A_18  : i32 {
      %mul3A_70 = arith.constant 1 : i32
      %mul3A_71 = arith.muli %scan3A_69, %mul3A_70 : i32
      %add3A_72 = arith.constant 0 : i32
      %add3A_73 = arith.addi %add3A_72, %mul3A_71 : i32
      %mul3A_74 = arith.constant 16 : i32
      %mul3A_75 = arith.muli %add3A_73, %mul3A_74 : i32
      %get3A = arith.index_cast %mul3A_75 : i32 to index
      %get3A_76 = tpu.vector_load %arg10[%get3A] {strides = array<i32>} : memref<2048xi32, #tpu.memory_space<vmem>>, vector<16xi32>,
      %iota3A_77 = tpu.iota {dimensions = array<i32: 0>} : vector<16xi32>
      %mul3A_78 = arith.constant 16 : i32
      %mul3A_79 = arith.muli %add3A_73, %mul3A_78 : i32
      %add3A_80 = vector.broadcast %mul3A_79 : i32 to vector<16xi32>
      %add3A_81 = arith.addi %iota3A_77, %add3A_80 : vector<16xi32>
      tpu.vector_store_idx %arg9[%get3A_76], %add3A_81 : memref<10000xi32, #tpu.memory_space<vmem>>[vector<16xi32>], vector<16xi32>,
    }
    %scan3A_19 = arith.constant 128 : i32
    %mul3A_20 = arith.constant 136 : i32
    %mul3A_21 = arith.muli %arg1, %mul3A_20 : i32
    %dma_wait3A = arith.constant 0 : i32
    %dma_wait3A_22 = tpu.memref_slice %arg23[%mul3A_21, %dma_wait3A] : memref<2176x128xf32, #tpu.memory_space<vmem_shared>> -> memref<136x128xf32, #tpu.memory_space<vmem_shared>>
    tpu.wait_dma2 semaphore(%arg26 : memref<!tpu.dma_semaphore, #tpu.memory_space<semaphore_mem>>) src(%arg5 : memref<136x128xf32, #tpu.memory_space<hbm>>) dst(%dma_wait3A_22 : memref<136x128xf32, #tpu.memory_space<vmem_shared>>)
    %barrier3A = arith.constant 0 : index
    tpu.barrier barrier_id(%barrier3A)
    %broadcast_in_dim3A = arith.constant 0.000000e+00 : f32
    %broadcast_in_dim3A_23 = vector.broadcast %broadcast_in_dim3A : f32 to vector<16xf32>
    %add3A_24 = arith.constant 1.000000e+00 : f32
    %add3A_25 = vector.broadcast %add3A_24 : f32 to vector<16xf32>
    %add3A_26 = arith.addf %broadcast_in_dim3A_23, %add3A_25 : vector<16xf32>
    %iota3A = tpu.iota {dimensions = array<i32: 0>} : vector<16xi32>
    %scan3A_27 = arith.constant 0 : i32
    %scan3A_28 = arith.constant 5 : i32
    %scan3A_29 = arith.addi %scan3A_27, %scan3A_28 : i32
    %scan3A_30 = arith.constant 1 : i32
    scf.for %scan3A_69 = %scan3A_27 to %scan3A_29 step %scan3A_30  : i32 {
      %mul3A_70 = arith.constant 1 : i32
      %mul3A_71 = arith.muli %scan3A_69, %mul3A_70 : i32
      %add3A_72 = arith.constant 0 : i32
      %add3A_73 = arith.addi %add3A_72, %mul3A_71 : i32
      %mul3A_74 = arith.constant 2000 : i32
      %mul3A_75 = arith.muli %add3A_73, %mul3A_74 : i32
      %add3A_76 = arith.addi %mul3A_2, %mul3A_75 : i32
      "tpu.region"() ({
        %run_scoped3A = tpu.sem_alloc : memref<!tpu.dma_semaphore, #tpu.memory_space<semaphore_mem>>
        %dma_start3A_226 = tpu.memref_slice %arg3[%add3A_76] : memref<640000xi32, #tpu.memory_space<hbm>> -> memref<2000xi32, #tpu.memory_space<hbm>>
        %dma_start3A_227 = tpu.memref_slice %arg3[%add3A_76] : memref<640000xi32, #tpu.memory_space<hbm>> -> memref<2000xi32, #tpu.memory_space<hbm>>
        tpu.enqueue_dma source(%dma_start3A_227 : memref<2000xi32, #tpu.memory_space<hbm>>) target(%arg11 : memref<2000xi32, #tpu.memory_space<vmem>>) target_semaphore(%run_scoped3A : memref<!tpu.dma_semaphore, #tpu.memory_space<semaphore_mem>>)
        %dma_wait3A_228 = tpu.memref_slice %arg3[%add3A_76] : memref<640000xi32, #tpu.memory_space<hbm>> -> memref<2000xi32, #tpu.memory_space<hbm>>
        %dma_wait3A_229 = tpu.memref_slice %arg3[%add3A_76] : memref<640000xi32, #tpu.memory_space<hbm>> -> memref<2000xi32, #tpu.memory_space<hbm>>
        tpu.wait_dma2 semaphore(%run_scoped3A : memref<!tpu.dma_semaphore, #tpu.memory_space<semaphore_mem>>) src(%dma_wait3A_229 : memref<2000xi32, #tpu.memory_space<hbm>>) dst(%arg11 : memref<2000xi32, #tpu.memory_space<vmem>>)
        tpu.yield
      }) : () -> ()
      %add3A_77 = arith.constant 320000 : i32
      %add3A_78 = arith.addi %add3A_77, %add3A_76 : i32
      "tpu.region"() ({
        %run_scoped3A = tpu.sem_alloc : memref<!tpu.dma_semaphore, #tpu.memory_space<semaphore_mem>>
        %dma_start3A_226 = tpu.memref_slice %arg3[%add3A_78] : memref<640000xi32, #tpu.memory_space<hbm>> -> memref<2000xi32, #tpu.memory_space<hbm>>
        %dma_start3A_227 = tpu.memref_slice %arg3[%add3A_78] : memref<640000xi32, #tpu.memory_space<hbm>> -> memref<2000xi32, #tpu.memory_space<hbm>>
        tpu.enqueue_dma source(%dma_start3A_227 : memref<2000xi32, #tpu.memory_space<hbm>>) target(%arg12 : memref<2000xi32, #tpu.memory_space<vmem>>) target_semaphore(%run_scoped3A : memref<!tpu.dma_semaphore, #tpu.memory_space<semaphore_mem>>)
        %dma_wait3A_228 = tpu.memref_slice %arg3[%add3A_78] : memref<640000xi32, #tpu.memory_space<hbm>> -> memref<2000xi32, #tpu.memory_space<hbm>>
        %dma_wait3A_229 = tpu.memref_slice %arg3[%add3A_78] : memref<640000xi32, #tpu.memory_space<hbm>> -> memref<2000xi32, #tpu.memory_space<hbm>>
        tpu.wait_dma2 semaphore(%run_scoped3A : memref<!tpu.dma_semaphore, #tpu.memory_space<semaphore_mem>>) src(%dma_wait3A_229 : memref<2000xi32, #tpu.memory_space<hbm>>) dst(%arg12 : memref<2000xi32, #tpu.memory_space<vmem>>)
        tpu.yield
      }) : () -> ()
      %scan3A_79 = arith.constant 0 : i32
      %scan3A_80 = arith.constant 0 : i32
      %scan3A_81 = arith.constant 125 : i32
      %scan3A_82 = arith.addi %scan3A_80, %scan3A_81 : i32
      %scan3A_83 = arith.constant 1 : i32
      %scan3A_84 = scf.for %scan3A_226 = %scan3A_80 to %scan3A_82 step %scan3A_83 iter_args(%scan3A_227 = %scan3A_79) -> (i32)  : i32 {
        %mul3A_228 = arith.constant 16 : i32
        %mul3A_229 = arith.muli %scan3A_226, %mul3A_228 : i32
        %get3A = arith.index_cast %mul3A_229 : i32 to index
        %get3A_230 = tpu.vector_load %arg11[%get3A] {strides = array<i32>} : memref<2000xi32, #tpu.memory_space<vmem>>, vector<16xi32>,
        %mul3A_231 = arith.constant 16 : i32
        %mul3A_232 = arith.muli %scan3A_226, %mul3A_231 : i32
        %get3A_233 = arith.index_cast %mul3A_232 : i32 to index
        %get3A_234 = tpu.vector_load %arg12[%get3A_233] {strides = array<i32>} : memref<2000xi32, #tpu.memory_space<vmem>>, vector<16xi32>,
        %gather3A = tpu.vector_load_idx %arg9[%get3A_234] : memref<10000xi32, #tpu.memory_space<vmem>>[vector<16xi32>], vector<16xi32>,
        %ge3A = arith.constant 0 : i32
        %ge3A_235 = vector.broadcast %ge3A : i32 to vector<16xi32>
        %ge3A_236 = arith.cmpi sge, %gather3A, %ge3A_235 : vector<16xi32>
        %broadcast_in_dim3A_237 = arith.constant 2048 : i32
        %broadcast_in_dim3A_238 = vector.broadcast %broadcast_in_dim3A_237 : i32 to vector<16xi32>
        %select_n3A_239 = arith.select %ge3A_236, %gather3A, %broadcast_in_dim3A_238 : vector<16xi1>, vector<16xi32>
        tpu.vector_store_idx %arg17[%select_n3A_239], %add3A_26 masked %ge3A_236 {add = true} : memref<2176xf32, #tpu.memory_space<vmem>>[vector<16xi32>], vector<16xf32>, vector<16xi1>
        %swap3A_240 = arith.index_cast %scan3A_227 : i32 to index
        %swap3A_241 = tpu.vector_load %arg13[%swap3A_240] masked %ge3A_236 {strides = array<i32>} : memref<2400xi32, #tpu.memory_space<vmem>>, vector<16xi32>, vector<16xi1>
        tpu.vector_store %arg13[%swap3A_240], %get3A_230 masked %ge3A_236 {strides = array<i32>} : memref<2400xi32, #tpu.memory_space<vmem>>, vector<16xi32>, vector<16xi1>
        %swap3A_242 = arith.index_cast %scan3A_227 : i32 to index
        %swap3A_243 = tpu.vector_load %arg14[%swap3A_242] masked %ge3A_236 {strides = array<i32>} : memref<2400xi32, #tpu.memory_space<vmem>>, vector<16xi32>, vector<16xi1>
        tpu.vector_store %arg14[%swap3A_242], %gather3A masked %ge3A_236 {strides = array<i32>} : memref<2400xi32, #tpu.memory_space<vmem>>, vector<16xi32>, vector<16xi1>
        %convert_element_type3A = arith.extui %ge3A_236 : vector<16xi1> to vector<16xi32>
        %reduce_sum3A = arith.constant true
        %reduce_sum3A_244 = vector.broadcast %reduce_sum3A : i1 to vector<16xi1>
        %reduce_sum3A_245 = tpu.scan <sum>, %convert_element_type3A masked %reduce_sum3A_244 : vector<16xi32>, vector<16xi1> -> vector<16xi32>
        %reduce_sum3A_246 = vector.extract %reduce_sum3A_245[15] : i32 from vector<16xi32>
        %add3A_247 = arith.addi %scan3A_227, %reduce_sum3A_246 : i32
        scf.yield %add3A_247 : i32
      }
      %scan3A_85 = arith.constant 125 : i32
      %mul3A_86 = arith.constant 8 : i32
      %mul3A_87 = vector.broadcast %mul3A_86 : i32 to vector<16xi32>
      %mul3A_88 = arith.muli %iota3A, %mul3A_87 : vector<16xi32>
      %add3A_89 = arith.constant 0 : i32
      %add3A_90 = arith.addi %scan3A_84, %add3A_89 : i32
      %swap3A = arith.index_cast %add3A_90 : i32 to index
      %swap3A_91 = tpu.vector_load %arg13[%swap3A] {strides = array<i32>} : memref<2400xi32, #tpu.memory_space<vmem>>, vector<16xi32>,
      tpu.vector_store %arg13[%swap3A], %mul3A_88 {strides = array<i32>} : memref<2400xi32, #tpu.memory_space<vmem>>, vector<16xi32>,
      %add3A_92 = arith.constant 2048 : i32
      %add3A_93 = vector.broadcast %add3A_92 : i32 to vector<16xi32>
      %add3A_94 = arith.addi %iota3A, %add3A_93 : vector<16xi32>
      %add3A_95 = arith.constant 0 : i32
      %add3A_96 = arith.addi %scan3A_84, %add3A_95 : i32
      %swap3A_97 = arith.index_cast %add3A_96 : i32 to index
      %swap3A_98 = tpu.vector_load %arg14[%swap3A_97] {strides = array<i32>} : memref<2400xi32, #tpu.memory_space<vmem>>, vector<16xi32>,
      tpu.vector_store %arg14[%swap3A_97], %add3A_94 {strides = array<i32>} : memref<2400xi32, #tpu.memory_space<vmem>>, vector<16xi32>,
      %mul3A_99 = arith.constant 8 : i32
      %mul3A_100 = vector.broadcast %mul3A_99 : i32 to vector<16xi32>
      %mul3A_101 = arith.muli %iota3A, %mul3A_100 : vector<16xi32>
      %add3A_102 = arith.constant 16 : i32
      %add3A_103 = arith.addi %scan3A_84, %add3A_102 : i32
      %swap3A_104 = arith.index_cast %add3A_103 : i32 to index
      %swap3A_105 = tpu.vector_load %arg13[%swap3A_104] {strides = array<i32>} : memref<2400xi32, #tpu.memory_space<vmem>>, vector<16xi32>,
      tpu.vector_store %arg13[%swap3A_104], %mul3A_101 {strides = array<i32>} : memref<2400xi32, #tpu.memory_space<vmem>>, vector<16xi32>,
      %add3A_106 = arith.constant 2048 : i32
      %add3A_107 = vector.broadcast %add3A_106 : i32 to vector<16xi32>
      %add3A_108 = arith.addi %iota3A, %add3A_107 : vector<16xi32>
      %add3A_109 = arith.constant 16 : i32
      %add3A_110 = arith.addi %scan3A_84, %add3A_109 : i32
      %swap3A_111 = arith.index_cast %add3A_110 : i32 to index
      %swap3A_112 = tpu.vector_load %arg14[%swap3A_111] {strides = array<i32>} : memref<2400xi32, #tpu.memory_space<vmem>>, vector<16xi32>,
      tpu.vector_store %arg14[%swap3A_111], %add3A_108 {strides = array<i32>} : memref<2400xi32, #tpu.memory_space<vmem>>, vector<16xi32>,
      %mul3A_113 = arith.constant 8 : i32
      %mul3A_114 = vector.broadcast %mul3A_113 : i32 to vector<16xi32>
      %mul3A_115 = arith.muli %iota3A, %mul3A_114 : vector<16xi32>
      %add3A_116 = arith.constant 32 : i32
      %add3A_117 = arith.addi %scan3A_84, %add3A_116 : i32
      %swap3A_118 = arith.index_cast %add3A_117 : i32 to index
      %swap3A_119 = tpu.vector_load %arg13[%swap3A_118] {strides = array<i32>} : memref<2400xi32, #tpu.memory_space<vmem>>, vector<16xi32>,
      tpu.vector_store %arg13[%swap3A_118], %mul3A_115 {strides = array<i32>} : memref<2400xi32, #tpu.memory_space<vmem>>, vector<16xi32>,
      %add3A_120 = arith.constant 2048 : i32
      %add3A_121 = vector.broadcast %add3A_120 : i32 to vector<16xi32>
      %add3A_122 = arith.addi %iota3A, %add3A_121 : vector<16xi32>
      %add3A_123 = arith.constant 32 : i32
      %add3A_124 = arith.addi %scan3A_84, %add3A_123 : i32
      %swap3A_125 = arith.index_cast %add3A_124 : i32 to index
      %swap3A_126 = tpu.vector_load %arg14[%swap3A_125] {strides = array<i32>} : memref<2400xi32, #tpu.memory_space<vmem>>, vector<16xi32>,
      tpu.vector_store %arg14[%swap3A_125], %add3A_122 {strides = array<i32>} : memref<2400xi32, #tpu.memory_space<vmem>>, vector<16xi32>,
      %mul3A_127 = arith.constant 8 : i32
      %mul3A_128 = vector.broadcast %mul3A_127 : i32 to vector<16xi32>
      %mul3A_129 = arith.muli %iota3A, %mul3A_128 : vector<16xi32>
      %add3A_130 = arith.constant 48 : i32
      %add3A_131 = arith.addi %scan3A_84, %add3A_130 : i32
      %swap3A_132 = arith.index_cast %add3A_131 : i32 to index
      %swap3A_133 = tpu.vector_load %arg13[%swap3A_132] {strides = array<i32>} : memref<2400xi32, #tpu.memory_space<vmem>>, vector<16xi32>,
      tpu.vector_store %arg13[%swap3A_132], %mul3A_129 {strides = array<i32>} : memref<2400xi32, #tpu.memory_space<vmem>>, vector<16xi32>,
      %add3A_134 = arith.constant 2048 : i32
      %add3A_135 = vector.broadcast %add3A_134 : i32 to vector<16xi32>
      %add3A_136 = arith.addi %iota3A, %add3A_135 : vector<16xi32>
      %add3A_137 = arith.constant 48 : i32
      %add3A_138 = arith.addi %scan3A_84, %add3A_137 : i32
      %swap3A_139 = arith.index_cast %add3A_138 : i32 to index
      %swap3A_140 = tpu.vector_load %arg14[%swap3A_139] {strides = array<i32>} : memref<2400xi32, #tpu.memory_space<vmem>>, vector<16xi32>,
      tpu.vector_store %arg14[%swap3A_139], %add3A_136 {strides = array<i32>} : memref<2400xi32, #tpu.memory_space<vmem>>, vector<16xi32>,
      %mul3A_141 = arith.constant 8 : i32
      %mul3A_142 = vector.broadcast %mul3A_141 : i32 to vector<16xi32>
      %mul3A_143 = arith.muli %iota3A, %mul3A_142 : vector<16xi32>
      %add3A_144 = arith.constant 64 : i32
      %add3A_145 = arith.addi %scan3A_84, %add3A_144 : i32
      %swap3A_146 = arith.index_cast %add3A_145 : i32 to index
      %swap3A_147 = tpu.vector_load %arg13[%swap3A_146] {strides = array<i32>} : memref<2400xi32, #tpu.memory_space<vmem>>, vector<16xi32>,
      tpu.vector_store %arg13[%swap3A_146], %mul3A_143 {strides = array<i32>} : memref<2400xi32, #tpu.memory_space<vmem>>, vector<16xi32>,
      %add3A_148 = arith.constant 2048 : i32
      %add3A_149 = vector.broadcast %add3A_148 : i32 to vector<16xi32>
      %add3A_150 = arith.addi %iota3A, %add3A_149 : vector<16xi32>
      %add3A_151 = arith.constant 64 : i32
      %add3A_152 = arith.addi %scan3A_84, %add3A_151 : i32
      %swap3A_153 = arith.index_cast %add3A_152 : i32 to index
      %swap3A_154 = tpu.vector_load %arg14[%swap3A_153] {strides = array<i32>} : memref<2400xi32, #tpu.memory_space<vmem>>, vector<16xi32>,
      tpu.vector_store %arg14[%swap3A_153], %add3A_150 {strides = array<i32>} : memref<2400xi32, #tpu.memory_space<vmem>>, vector<16xi32>,
      %mul3A_155 = arith.constant 8 : i32
      %mul3A_156 = vector.broadcast %mul3A_155 : i32 to vector<16xi32>
      %mul3A_157 = arith.muli %iota3A, %mul3A_156 : vector<16xi32>
      %add3A_158 = arith.constant 80 : i32
      %add3A_159 = arith.addi %scan3A_84, %add3A_158 : i32
      %swap3A_160 = arith.index_cast %add3A_159 : i32 to index
      %swap3A_161 = tpu.vector_load %arg13[%swap3A_160] {strides = array<i32>} : memref<2400xi32, #tpu.memory_space<vmem>>, vector<16xi32>,
      tpu.vector_store %arg13[%swap3A_160], %mul3A_157 {strides = array<i32>} : memref<2400xi32, #tpu.memory_space<vmem>>, vector<16xi32>,
      %add3A_162 = arith.constant 2048 : i32
      %add3A_163 = vector.broadcast %add3A_162 : i32 to vector<16xi32>
      %add3A_164 = arith.addi %iota3A, %add3A_163 : vector<16xi32>
      %add3A_165 = arith.constant 80 : i32
      %add3A_166 = arith.addi %scan3A_84, %add3A_165 : i32
      %swap3A_167 = arith.index_cast %add3A_166 : i32 to index
      %swap3A_168 = tpu.vector_load %arg14[%swap3A_167] {strides = array<i32>} : memref<2400xi32, #tpu.memory_space<vmem>>, vector<16xi32>,
      tpu.vector_store %arg14[%swap3A_167], %add3A_164 {strides = array<i32>} : memref<2400xi32, #tpu.memory_space<vmem>>, vector<16xi32>,
      %mul3A_169 = arith.constant 8 : i32
      %mul3A_170 = vector.broadcast %mul3A_169 : i32 to vector<16xi32>
      %mul3A_171 = arith.muli %iota3A, %mul3A_170 : vector<16xi32>
      %add3A_172 = arith.constant 96 : i32
      %add3A_173 = arith.addi %scan3A_84, %add3A_172 : i32
      %swap3A_174 = arith.index_cast %add3A_173 : i32 to index
      %swap3A_175 = tpu.vector_load %arg13[%swap3A_174] {strides = array<i32>} : memref<2400xi32, #tpu.memory_space<vmem>>, vector<16xi32>,
      tpu.vector_store %arg13[%swap3A_174], %mul3A_171 {strides = array<i32>} : memref<2400xi32, #tpu.memory_space<vmem>>, vector<16xi32>,
      %add3A_176 = arith.constant 2048 : i32
      %add3A_177 = vector.broadcast %add3A_176 : i32 to vector<16xi32>
      %add3A_178 = arith.addi %iota3A, %add3A_177 : vector<16xi32>
      %add3A_179 = arith.constant 96 : i32
      %add3A_180 = arith.addi %scan3A_84, %add3A_179 : i32
      %swap3A_181 = arith.index_cast %add3A_180 : i32 to index
      %swap3A_182 = tpu.vector_load %arg14[%swap3A_181] {strides = array<i32>} : memref<2400xi32, #tpu.memory_space<vmem>>, vector<16xi32>,
      tpu.vector_store %arg14[%swap3A_181], %add3A_178 {strides = array<i32>} : memref<2400xi32, #tpu.memory_space<vmem>>, vector<16xi32>,
      %mul3A_183 = arith.constant 8 : i32
      %mul3A_184 = vector.broadcast %mul3A_183 : i32 to vector<16xi32>
      %mul3A_185 = arith.muli %iota3A, %mul3A_184 : vector<16xi32>
      %add3A_186 = arith.constant 112 : i32
      %add3A_187 = arith.addi %scan3A_84, %add3A_186 : i32
      %swap3A_188 = arith.index_cast %add3A_187 : i32 to index
      %swap3A_189 = tpu.vector_load %arg13[%swap3A_188] {strides = array<i32>} : memref<2400xi32, #tpu.memory_space<vmem>>, vector<16xi32>,
      tpu.vector_store %arg13[%swap3A_188], %mul3A_185 {strides = array<i32>} : memref<2400xi32, #tpu.memory_space<vmem>>, vector<16xi32>,
      %add3A_190 = arith.constant 2048 : i32
      %add3A_191 = vector.broadcast %add3A_190 : i32 to vector<16xi32>
      %add3A_192 = arith.addi %iota3A, %add3A_191 : vector<16xi32>
      %add3A_193 = arith.constant 112 : i32
      %add3A_194 = arith.addi %scan3A_84, %add3A_193 : i32
      %swap3A_195 = arith.index_cast %add3A_194 : i32 to index
      %swap3A_196 = tpu.vector_load %arg14[%swap3A_195] {strides = array<i32>} : memref<2400xi32, #tpu.memory_space<vmem>>, vector<16xi32>,
      tpu.vector_store %arg14[%swap3A_195], %add3A_192 {strides = array<i32>} : memref<2400xi32, #tpu.memory_space<vmem>>, vector<16xi32>,
      %add3A_197 = arith.constant 127 : i32
      %add3A_198 = arith.addi %scan3A_84, %add3A_197 : i32
      %jit3A = arith.constant 128 : i32
      %div3A = arith.divsi %add3A_198, %jit3A : i32
      %sign3A = arith.constant 0 : i32
      %sign3A_199 = arith.cmpi sgt, %add3A_198, %sign3A : i32
      %sign3A_200 = arith.extui %sign3A_199 : i1 to i32
      %sign3A_201 = arith.constant 0 : i32
      %sign3A_202 = arith.cmpi slt, %add3A_198, %sign3A_201 : i32
      %sign3A_203 = arith.extui %sign3A_202 : i1 to i32
      %sign3A_204 = arith.subi %sign3A_200, %sign3A_203 : i32
      %sign3A_205 = arith.constant 0 : i32
      %sign3A_206 = arith.cmpi sgt, %jit3A, %sign3A_205 : i32
      %sign3A_207 = arith.extui %sign3A_206 : i1 to i32
      %sign3A_208 = arith.constant 0 : i32
      %sign3A_209 = arith.cmpi slt, %jit3A, %sign3A_208 : i32
      %sign3A_210 = arith.extui %sign3A_209 : i1 to i32
      %sign3A_211 = arith.subi %sign3A_207, %sign3A_210 : i32
      %ne3A = arith.cmpi ne, %sign3A_204, %sign3A_211 : i32
      %rem3A = arith.remsi %add3A_198, %jit3A : i32
      %ne3A_212 = arith.constant 0 : i32
      %ne3A_213 = arith.cmpi ne, %rem3A, %ne3A_212 : i32
      %and3A = arith.andi %ne3A, %ne3A_213 : i1
      %sub3A = arith.constant 1 : i32
      %sub3A_214 = arith.subi %div3A, %sub3A : i32
      %select_n3A = arith.select %and3A, %sub3A_214, %div3A : i32
      %while3A = arith.constant 0 : i32
      %while3A_215 = arith.constant 0 : i32
      %while3A_216 = arith.subi %select_n3A, %while3A : i32
      %while3A_217 = arith.addi %while3A, %while3A_216 : i32
      %while3A_218 = arith.constant 1 : i32
      %while3A_219 = arith.divsi %while3A_216, %while3A_218 : i32
      %while3A_220 = arith.muli %while3A_219, %while3A_218 : i32
      %while3A_221 = arith.addi %while3A, %while3A_220 : i32
      %while3A_222 = arith.constant 1 : i32
      %while3A_223 = scf.for %while3A_226 = %while3A to %while3A_221 step %while3A_222 iter_args(%while3A_227 = %while3A_215) -> (i32)  : i32 {
        %mul3A_228 = arith.constant 128 : i32
        %mul3A_229 = arith.muli %while3A_226, %mul3A_228 : i32
        %add3A_230 = arith.constant 0 : i32
        %add3A_231 = arith.addi %mul3A_229, %add3A_230 : i32
        %get3A = arith.index_cast %add3A_231 : i32 to index
        %get3A_232 = tpu.vector_load %arg14[%get3A] {strides = array<i32>} : memref<2400xi32, #tpu.memory_space<vmem>>, vector<16xi32>,
        %swap3A_233 = arith.constant 0 : i32
        %swap3A_234 = arith.index_cast %swap3A_233 : i32 to index
        %swap3A_235 = arith.constant 0 : index
        %swap3A_236 = tpu.vector_load %arg15[%swap3A_234, %swap3A_235] {strides = array<i32>} : memref<1x128xi32, #tpu.memory_space<vmem>>, vector<16xi32>,
        tpu.vector_store %arg15[%swap3A_234, %swap3A_235], %get3A_232 {strides = array<i32>} : memref<1x128xi32, #tpu.memory_space<vmem>>, vector<16xi32>,
        %mul3A_237 = arith.constant 128 : i32
        %mul3A_238 = arith.muli %while3A_226, %mul3A_237 : i32
        %add3A_239 = arith.constant 16 : i32
        %add3A_240 = arith.addi %mul3A_238, %add3A_239 : i32
        %get3A_241 = arith.index_cast %add3A_240 : i32 to index
        %get3A_242 = tpu.vector_load %arg14[%get3A_241] {strides = array<i32>} : memref<2400xi32, #tpu.memory_space<vmem>>, vector<16xi32>,
        %swap3A_243 = arith.constant 0 : i32
        %swap3A_244 = arith.index_cast %swap3A_243 : i32 to index
        %swap3A_245 = arith.constant 16 : index
        %swap3A_246 = tpu.vector_load %arg15[%swap3A_244, %swap3A_245] {strides = array<i32>} : memref<1x128xi32, #tpu.memory_space<vmem>>, vector<16xi32>,
        tpu.vector_store %arg15[%swap3A_244, %swap3A_245], %get3A_242 {strides = array<i32>} : memref<1x128xi32, #tpu.memory_space<vmem>>, vector<16xi32>,
        %mul3A_247 = arith.constant 128 : i32
        %mul3A_248 = arith.muli %while3A_226, %mul3A_247 : i32
        %add3A_249 = arith.constant 32 : i32
        %add3A_250 = arith.addi %mul3A_248, %add3A_249 : i32
        %get3A_251 = arith.index_cast %add3A_250 : i32 to index
        %get3A_252 = tpu.vector_load %arg14[%get3A_251] {strides = array<i32>} : memref<2400xi32, #tpu.memory_space<vmem>>, vector<16xi32>,
        %swap3A_253 = arith.constant 0 : i32
        %swap3A_254 = arith.index_cast %swap3A_253 : i32 to index
        %swap3A_255 = arith.constant 32 : index
        %swap3A_256 = tpu.vector_load %arg15[%swap3A_254, %swap3A_255] {strides = array<i32>} : memref<1x128xi32, #tpu.memory_space<vmem>>, vector<16xi32>,
        tpu.vector_store %arg15[%swap3A_254, %swap3A_255], %get3A_252 {strides = array<i32>} : memref<1x128xi32, #tpu.memory_space<vmem>>, vector<16xi32>,
        %mul3A_257 = arith.constant 128 : i32
        %mul3A_258 = arith.muli %while3A_226, %mul3A_257 : i32
        %add3A_259 = arith.constant 48 : i32
        %add3A_260 = arith.addi %mul3A_258, %add3A_259 : i32
        %get3A_261 = arith.index_cast %add3A_260 : i32 to index
        %get3A_262 = tpu.vector_load %arg14[%get3A_261] {strides = array<i32>} : memref<2400xi32, #tpu.memory_space<vmem>>, vector<16xi32>,
        %swap3A_263 = arith.constant 0 : i32
        %swap3A_264 = arith.index_cast %swap3A_263 : i32 to index
        %swap3A_265 = arith.constant 48 : index
        %swap3A_266 = tpu.vector_load %arg15[%swap3A_264, %swap3A_265] {strides = array<i32>} : memref<1x128xi32, #tpu.memory_space<vmem>>, vector<16xi32>,
        tpu.vector_store %arg15[%swap3A_264, %swap3A_265], %get3A_262 {strides = array<i32>} : memref<1x128xi32, #tpu.memory_space<vmem>>, vector<16xi32>,
        %mul3A_267 = arith.constant 128 : i32
        %mul3A_268 = arith.muli %while3A_226, %mul3A_267 : i32
        %add3A_269 = arith.constant 64 : i32
        %add3A_270 = arith.addi %mul3A_268, %add3A_269 : i32
        %get3A_271 = arith.index_cast %add3A_270 : i32 to index
        %get3A_272 = tpu.vector_load %arg14[%get3A_271] {strides = array<i32>} : memref<2400xi32, #tpu.memory_space<vmem>>, vector<16xi32>,
        %swap3A_273 = arith.constant 0 : i32
        %swap3A_274 = arith.index_cast %swap3A_273 : i32 to index
        %swap3A_275 = arith.constant 64 : index
        %swap3A_276 = tpu.vector_load %arg15[%swap3A_274, %swap3A_275] {strides = array<i32>} : memref<1x128xi32, #tpu.memory_space<vmem>>, vector<16xi32>,
        tpu.vector_store %arg15[%swap3A_274, %swap3A_275], %get3A_272 {strides = array<i32>} : memref<1x128xi32, #tpu.memory_space<vmem>>, vector<16xi32>,
        %mul3A_277 = arith.constant 128 : i32
        %mul3A_278 = arith.muli %while3A_226, %mul3A_277 : i32
        %add3A_279 = arith.constant 80 : i32
        %add3A_280 = arith.addi %mul3A_278, %add3A_279 : i32
        %get3A_281 = arith.index_cast %add3A_280 : i32 to index
        %get3A_282 = tpu.vector_load %arg14[%get3A_281] {strides = array<i32>} : memref<2400xi32, #tpu.memory_space<vmem>>, vector<16xi32>,
        %swap3A_283 = arith.constant 0 : i32
        %swap3A_284 = arith.index_cast %swap3A_283 : i32 to index
        %swap3A_285 = arith.constant 80 : index
        %swap3A_286 = tpu.vector_load %arg15[%swap3A_284, %swap3A_285] {strides = array<i32>} : memref<1x128xi32, #tpu.memory_space<vmem>>, vector<16xi32>,
        tpu.vector_store %arg15[%swap3A_284, %swap3A_285], %get3A_282 {strides = array<i32>} : memref<1x128xi32, #tpu.memory_space<vmem>>, vector<16xi32>,
        %mul3A_287 = arith.constant 128 : i32
        %mul3A_288 = arith.muli %while3A_226, %mul3A_287 : i32
        %add3A_289 = arith.constant 96 : i32
        %add3A_290 = arith.addi %mul3A_288, %add3A_289 : i32
        %get3A_291 = arith.index_cast %add3A_290 : i32 to index
        %get3A_292 = tpu.vector_load %arg14[%get3A_291] {strides = array<i32>} : memref<2400xi32, #tpu.memory_space<vmem>>, vector<16xi32>,
        %swap3A_293 = arith.constant 0 : i32
        %swap3A_294 = arith.index_cast %swap3A_293 : i32 to index
        %swap3A_295 = arith.constant 96 : index
        %swap3A_296 = tpu.vector_load %arg15[%swap3A_294, %swap3A_295] {strides = array<i32>} : memref<1x128xi32, #tpu.memory_space<vmem>>, vector<16xi32>,
        tpu.vector_store %arg15[%swap3A_294, %swap3A_295], %get3A_292 {strides = array<i32>} : memref<1x128xi32, #tpu.memory_space<vmem>>, vector<16xi32>,
        %mul3A_297 = arith.constant 128 : i32
        %mul3A_298 = arith.muli %while3A_226, %mul3A_297 : i32
        %add3A_299 = arith.constant 112 : i32
        %add3A_300 = arith.addi %mul3A_298, %add3A_299 : i32
        %get3A_301 = arith.index_cast %add3A_300 : i32 to index
        %get3A_302 = tpu.vector_load %arg14[%get3A_301] {strides = array<i32>} : memref<2400xi32, #tpu.memory_space<vmem>>, vector<16xi32>,
        %swap3A_303 = arith.constant 0 : i32
        %swap3A_304 = arith.index_cast %swap3A_303 : i32 to index
        %swap3A_305 = arith.constant 112 : index
        %swap3A_306 = tpu.vector_load %arg15[%swap3A_304, %swap3A_305] {strides = array<i32>} : memref<1x128xi32, #tpu.memory_space<vmem>>, vector<16xi32>,
        tpu.vector_store %arg15[%swap3A_304, %swap3A_305], %get3A_302 {strides = array<i32>} : memref<1x128xi32, #tpu.memory_space<vmem>>, vector<16xi32>,
        %mul3A_307 = arith.constant 128 : i32
        %mul3A_308 = arith.muli %while3A_226, %mul3A_307 : i32
        "tpu.region"() ({
          %run_scoped3A_310 = tpu.sem_alloc : memref<!tpu.dma_semaphore, #tpu.memory_space<semaphore_mem>>
          %dma_start3A_311 = arith.constant 0 : i32
          %dma_start3A_312 = arith.constant 0 : i32
          %dma_start3A_313 = tpu.memref_slice %arg16[%dma_start3A_311, %dma_start3A_312] : memref<256x128xf32, #tpu.memory_space<vmem>> -> memref<128x128xf32, #tpu.memory_space<vmem>>
          %dma_start3A_314 = tpu.memref_slice %arg13[%mul3A_308] : memref<2400xi32, #tpu.memory_space<vmem>> -> memref<128xi32, #tpu.memory_space<vmem>>
          %dma_start3A_315 = arith.constant 0 : i32
          %dma_start3A_316 = arith.constant 0 : i32
          %dma_start3A_317 = tpu.memref_slice %arg2[%dma_start3A_315, %dma_start3A_316] : memref<10000x128xf32, #tpu.memory_space<hbm>> -> memref<10000x128xf32, #tpu.memory_space<hbm>>
          tpu.enqueue_indirect_dma source(%dma_start3A_317 : memref<10000x128xf32, #tpu.memory_space<hbm>>) target(%dma_start3A_313 : memref<128x128xf32, #tpu.memory_space<vmem>>) offsets(%dma_start3A_314 : memref<128xi32, #tpu.memory_space<vmem>>) semaphore(%run_scoped3A_310 : memref<!tpu.dma_semaphore, #tpu.memory_space<semaphore_mem>>)
          %dma_wait3A_318 = arith.constant 0 : i32
          %dma_wait3A_319 = arith.constant 0 : i32
          %dma_wait3A_320 = tpu.memref_slice %arg16[%dma_wait3A_318, %dma_wait3A_319] : memref<256x128xf32, #tpu.memory_space<vmem>> -> memref<128x128xf32, #tpu.memory_space<vmem>>
          %dma_wait3A_321 = tpu.memref_slice %arg13[%mul3A_308] : memref<2400xi32, #tpu.memory_space<vmem>> -> memref<128xi32, #tpu.memory_space<vmem>>
          %dma_wait3A_322 = arith.constant 0 : i32
          %dma_wait3A_323 = arith.constant 0 : i32
          %dma_wait3A_324 = tpu.memref_slice %arg2[%dma_wait3A_322, %dma_wait3A_323] : memref<10000x128xf32, #tpu.memory_space<hbm>> -> memref<10000x128xf32, #tpu.memory_space<hbm>>
          tpu.wait_indirect_dma semaphore(%run_scoped3A_310 : memref<!tpu.dma_semaphore, #tpu.memory_space<semaphore_mem>>) src(%dma_wait3A_324 : memref<10000x128xf32, #tpu.memory_space<hbm>>) dst(%dma_wait3A_320 : memref<128x128xf32, #tpu.memory_space<vmem>>)
          tpu.yield
        }) : () -> ()
        %run_scoped3A = arith.constant 0 : i32
        "tpu.region"() ({
          %run_scoped3A_310 = tpu.sem_alloc : memref<!tpu.dma_semaphore, #tpu.memory_space<semaphore_mem>>
          %dma_start3A_311 = arith.constant 0 : i32
          %dma_start3A_312 = arith.constant 0 : i32
          %dma_start3A_313 = tpu.memref_slice %arg16[%dma_start3A_311, %dma_start3A_312] : memref<256x128xf32, #tpu.memory_space<vmem>> -> memref<128x128xf32, #tpu.memory_space<vmem>>
          %dma_start3A_314 = arith.constant 0 : i32
          %dma_start3A_315 = tpu.memref_slice %arg15[%run_scoped3A, %dma_start3A_314] : memref<1x128xi32, #tpu.memory_space<vmem>> -> memref<1x128xi32, #tpu.memory_space<vmem>>
          %dma_start3A_316 = tpu.memref_squeeze %dma_start3A_315 : memref<1x128xi32, #tpu.memory_space<vmem>> -> memref<128xi32, #tpu.memory_space<vmem>>
          %dma_start3A_317 = arith.constant 0 : i32
          %dma_start3A_318 = arith.constant 0 : i32
          %dma_start3A_319 = tpu.memref_slice %arg23[%dma_start3A_317, %dma_start3A_318] : memref<2176x128xf32, #tpu.memory_space<vmem_shared>> -> memref<2176x128xf32, #tpu.memory_space<vmem_shared>>
          tpu.enqueue_indirect_dma source(%dma_start3A_313 : memref<128x128xf32, #tpu.memory_space<vmem>>) target(%dma_start3A_319 : memref<2176x128xf32, #tpu.memory_space<vmem_shared>>) offsets(%dma_start3A_316 : memref<128xi32, #tpu.memory_space<vmem>>) semaphore(%run_scoped3A_310 : memref<!tpu.dma_semaphore, #tpu.memory_space<semaphore_mem>>) {add = true}
          %dma_wait3A_320 = arith.constant 0 : i32
          %dma_wait3A_321 = arith.constant 0 : i32
          %dma_wait3A_322 = tpu.memref_slice %arg16[%dma_wait3A_320, %dma_wait3A_321] : memref<256x128xf32, #tpu.memory_space<vmem>> -> memref<128x128xf32, #tpu.memory_space<vmem>>
          %dma_wait3A_323 = arith.constant 0 : i32
          %dma_wait3A_324 = tpu.memref_slice %arg15[%run_scoped3A, %dma_wait3A_323] : memref<1x128xi32, #tpu.memory_space<vmem>> -> memref<1x128xi32, #tpu.memory_space<vmem>>
          %dma_wait3A_325 = tpu.memref_squeeze %dma_wait3A_324 : memref<1x128xi32, #tpu.memory_space<vmem>> -> memref<128xi32, #tpu.memory_space<vmem>>
          %dma_wait3A_326 = arith.constant 0 : i32
          %dma_wait3A_327 = arith.constant 0 : i32
          %dma_wait3A_328 = tpu.memref_slice %arg23[%dma_wait3A_326, %dma_wait3A_327] : memref<2176x128xf32, #tpu.memory_space<vmem_shared>> -> memref<2176x128xf32, #tpu.memory_space<vmem_shared>>
          tpu.wait_indirect_dma semaphore(%run_scoped3A_310 : memref<!tpu.dma_semaphore, #tpu.memory_space<semaphore_mem>>) src(%dma_wait3A_322 : memref<128x128xf32, #tpu.memory_space<vmem>>) dst(%dma_wait3A_328 : memref<2176x128xf32, #tpu.memory_space<vmem_shared>>)
          tpu.yield
        }) : () -> ()
        %while3A_309 = arith.constant 0 : i32
        scf.yield %while3A_309 : i32
      }
      %while3A_224 = arith.constant 1 : i32
      %while3A_225 = scf.for %while3A_226 = %while3A_221 to %while3A_217 step %while3A_224 iter_args(%while3A_227 = %while3A_223) -> (i32)  : i32 {
        %mul3A_228 = arith.constant 128 : i32
        %mul3A_229 = arith.muli %while3A_226, %mul3A_228 : i32
        %add3A_230 = arith.constant 0 : i32
        %add3A_231 = arith.addi %mul3A_229, %add3A_230 : i32
        %get3A = arith.index_cast %add3A_231 : i32 to index
        %get3A_232 = tpu.vector_load %arg14[%get3A] {strides = array<i32>} : memref<2400xi32, #tpu.memory_space<vmem>>, vector<16xi32>,
        %swap3A_233 = arith.constant 0 : i32
        %swap3A_234 = arith.index_cast %swap3A_233 : i32 to index
        %swap3A_235 = arith.constant 0 : index
        %swap3A_236 = tpu.vector_load %arg15[%swap3A_234, %swap3A_235] {strides = array<i32>} : memref<1x128xi32, #tpu.memory_space<vmem>>, vector<16xi32>,
        tpu.vector_store %arg15[%swap3A_234, %swap3A_235], %get3A_232 {strides = array<i32>} : memref<1x128xi32, #tpu.memory_space<vmem>>, vector<16xi32>,
        %mul3A_237 = arith.constant 128 : i32
        %mul3A_238 = arith.muli %while3A_226, %mul3A_237 : i32
        %add3A_239 = arith.constant 16 : i32
        %add3A_240 = arith.addi %mul3A_238, %add3A_239 : i32
        %get3A_241 = arith.index_cast %add3A_240 : i32 to index
        %get3A_242 = tpu.vector_load %arg14[%get3A_241] {strides = array<i32>} : memref<2400xi32, #tpu.memory_space<vmem>>, vector<16xi32>,
        %swap3A_243 = arith.constant 0 : i32
        %swap3A_244 = arith.index_cast %swap3A_243 : i32 to index
        %swap3A_245 = arith.constant 16 : index
        %swap3A_246 = tpu.vector_load %arg15[%swap3A_244, %swap3A_245] {strides = array<i32>} : memref<1x128xi32, #tpu.memory_space<vmem>>, vector<16xi32>,
        tpu.vector_store %arg15[%swap3A_244, %swap3A_245], %get3A_242 {strides = array<i32>} : memref<1x128xi32, #tpu.memory_space<vmem>>, vector<16xi32>,
        %mul3A_247 = arith.constant 128 : i32
        %mul3A_248 = arith.muli %while3A_226, %mul3A_247 : i32
        %add3A_249 = arith.constant 32 : i32
        %add3A_250 = arith.addi %mul3A_248, %add3A_249 : i32
        %get3A_251 = arith.index_cast %add3A_250 : i32 to index
        %get3A_252 = tpu.vector_load %arg14[%get3A_251] {strides = array<i32>} : memref<2400xi32, #tpu.memory_space<vmem>>, vector<16xi32>,
        %swap3A_253 = arith.constant 0 : i32
        %swap3A_254 = arith.index_cast %swap3A_253 : i32 to index
        %swap3A_255 = arith.constant 32 : index
        %swap3A_256 = tpu.vector_load %arg15[%swap3A_254, %swap3A_255] {strides = array<i32>} : memref<1x128xi32, #tpu.memory_space<vmem>>, vector<16xi32>,
        tpu.vector_store %arg15[%swap3A_254, %swap3A_255], %get3A_252 {strides = array<i32>} : memref<1x128xi32, #tpu.memory_space<vmem>>, vector<16xi32>,
        %mul3A_257 = arith.constant 128 : i32
        %mul3A_258 = arith.muli %while3A_226, %mul3A_257 : i32
        %add3A_259 = arith.constant 48 : i32
        %add3A_260 = arith.addi %mul3A_258, %add3A_259 : i32
        %get3A_261 = arith.index_cast %add3A_260 : i32 to index
        %get3A_262 = tpu.vector_load %arg14[%get3A_261] {strides = array<i32>} : memref<2400xi32, #tpu.memory_space<vmem>>, vector<16xi32>,
        %swap3A_263 = arith.constant 0 : i32
        %swap3A_264 = arith.index_cast %swap3A_263 : i32 to index
        %swap3A_265 = arith.constant 48 : index
        %swap3A_266 = tpu.vector_load %arg15[%swap3A_264, %swap3A_265] {strides = array<i32>} : memref<1x128xi32, #tpu.memory_space<vmem>>, vector<16xi32>,
        tpu.vector_store %arg15[%swap3A_264, %swap3A_265], %get3A_262 {strides = array<i32>} : memref<1x128xi32, #tpu.memory_space<vmem>>, vector<16xi32>,
        %mul3A_267 = arith.constant 128 : i32
        %mul3A_268 = arith.muli %while3A_226, %mul3A_267 : i32
        %add3A_269 = arith.constant 64 : i32
        %add3A_270 = arith.addi %mul3A_268, %add3A_269 : i32
        %get3A_271 = arith.index_cast %add3A_270 : i32 to index
        %get3A_272 = tpu.vector_load %arg14[%get3A_271] {strides = array<i32>} : memref<2400xi32, #tpu.memory_space<vmem>>, vector<16xi32>,
        %swap3A_273 = arith.constant 0 : i32
        %swap3A_274 = arith.index_cast %swap3A_273 : i32 to index
        %swap3A_275 = arith.constant 64 : index
        %swap3A_276 = tpu.vector_load %arg15[%swap3A_274, %swap3A_275] {strides = array<i32>} : memref<1x128xi32, #tpu.memory_space<vmem>>, vector<16xi32>,
        tpu.vector_store %arg15[%swap3A_274, %swap3A_275], %get3A_272 {strides = array<i32>} : memref<1x128xi32, #tpu.memory_space<vmem>>, vector<16xi32>,
        %mul3A_277 = arith.constant 128 : i32
        %mul3A_278 = arith.muli %while3A_226, %mul3A_277 : i32
        %add3A_279 = arith.constant 80 : i32
        %add3A_280 = arith.addi %mul3A_278, %add3A_279 : i32
        %get3A_281 = arith.index_cast %add3A_280 : i32 to index
        %get3A_282 = tpu.vector_load %arg14[%get3A_281] {strides = array<i32>} : memref<2400xi32, #tpu.memory_space<vmem>>, vector<16xi32>,
        %swap3A_283 = arith.constant 0 : i32
        %swap3A_284 = arith.index_cast %swap3A_283 : i32 to index
        %swap3A_285 = arith.constant 80 : index
        %swap3A_286 = tpu.vector_load %arg15[%swap3A_284, %swap3A_285] {strides = array<i32>} : memref<1x128xi32, #tpu.memory_space<vmem>>, vector<16xi32>,
        tpu.vector_store %arg15[%swap3A_284, %swap3A_285], %get3A_282 {strides = array<i32>} : memref<1x128xi32, #tpu.memory_space<vmem>>, vector<16xi32>,
        %mul3A_287 = arith.constant 128 : i32
        %mul3A_288 = arith.muli %while3A_226, %mul3A_287 : i32
        %add3A_289 = arith.constant 96 : i32
        %add3A_290 = arith.addi %mul3A_288, %add3A_289 : i32
        %get3A_291 = arith.index_cast %add3A_290 : i32 to index
        %get3A_292 = tpu.vector_load %arg14[%get3A_291] {strides = array<i32>} : memref<2400xi32, #tpu.memory_space<vmem>>, vector<16xi32>,
        %swap3A_293 = arith.constant 0 : i32
        %swap3A_294 = arith.index_cast %swap3A_293 : i32 to index
        %swap3A_295 = arith.constant 96 : index
        %swap3A_296 = tpu.vector_load %arg15[%swap3A_294, %swap3A_295] {strides = array<i32>} : memref<1x128xi32, #tpu.memory_space<vmem>>, vector<16xi32>,
        tpu.vector_store %arg15[%swap3A_294, %swap3A_295], %get3A_292 {strides = array<i32>} : memref<1x128xi32, #tpu.memory_space<vmem>>, vector<16xi32>,
        %mul3A_297 = arith.constant 128 : i32
        %mul3A_298 = arith.muli %while3A_226, %mul3A_297 : i32
        %add3A_299 = arith.constant 112 : i32
        %add3A_300 = arith.addi %mul3A_298, %add3A_299 : i32
        %get3A_301 = arith.index_cast %add3A_300 : i32 to index
        %get3A_302 = tpu.vector_load %arg14[%get3A_301] {strides = array<i32>} : memref<2400xi32, #tpu.memory_space<vmem>>, vector<16xi32>,
        %swap3A_303 = arith.constant 0 : i32
        %swap3A_304 = arith.index_cast %swap3A_303 : i32 to index
        %swap3A_305 = arith.constant 112 : index
        %swap3A_306 = tpu.vector_load %arg15[%swap3A_304, %swap3A_305] {strides = array<i32>} : memref<1x128xi32, #tpu.memory_space<vmem>>, vector<16xi32>,
        tpu.vector_store %arg15[%swap3A_304, %swap3A_305], %get3A_302 {strides = array<i32>} : memref<1x128xi32, #tpu.memory_space<vmem>>, vector<16xi32>,
        %mul3A_307 = arith.constant 128 : i32
        %mul3A_308 = arith.muli %while3A_226, %mul3A_307 : i32
        "tpu.region"() ({
          %run_scoped3A_310 = tpu.sem_alloc : memref<!tpu.dma_semaphore, #tpu.memory_space<semaphore_mem>>
          %dma_start3A_311 = arith.constant 0 : i32
          %dma_start3A_312 = arith.constant 0 : i32
          %dma_start3A_313 = tpu.memref_slice %arg16[%dma_start3A_311, %dma_start3A_312] : memref<256x128xf32, #tpu.memory_space<vmem>> -> memref<128x128xf32, #tpu.memory_space<vmem>>
          %dma_start3A_314 = tpu.memref_slice %arg13[%mul3A_308] : memref<2400xi32, #tpu.memory_space<vmem>> -> memref<128xi32, #tpu.memory_space<vmem>>
          %dma_start3A_315 = arith.constant 0 : i32
          %dma_start3A_316 = arith.constant 0 : i32
          %dma_start3A_317 = tpu.memref_slice %arg2[%dma_start3A_315, %dma_start3A_316] : memref<10000x128xf32, #tpu.memory_space<hbm>> -> memref<10000x128xf32, #tpu.memory_space<hbm>>
          tpu.enqueue_indirect_dma source(%dma_start3A_317 : memref<10000x128xf32, #tpu.memory_space<hbm>>) target(%dma_start3A_313 : memref<128x128xf32, #tpu.memory_space<vmem>>) offsets(%dma_start3A_314 : memref<128xi32, #tpu.memory_space<vmem>>) semaphore(%run_scoped3A_310 : memref<!tpu.dma_semaphore, #tpu.memory_space<semaphore_mem>>)
          %dma_wait3A_318 = arith.constant 0 : i32
          %dma_wait3A_319 = arith.constant 0 : i32
          %dma_wait3A_320 = tpu.memref_slice %arg16[%dma_wait3A_318, %dma_wait3A_319] : memref<256x128xf32, #tpu.memory_space<vmem>> -> memref<128x128xf32, #tpu.memory_space<vmem>>
          %dma_wait3A_321 = tpu.memref_slice %arg13[%mul3A_308] : memref<2400xi32, #tpu.memory_space<vmem>> -> memref<128xi32, #tpu.memory_space<vmem>>
          %dma_wait3A_322 = arith.constant 0 : i32
          %dma_wait3A_323 = arith.constant 0 : i32
          %dma_wait3A_324 = tpu.memref_slice %arg2[%dma_wait3A_322, %dma_wait3A_323] : memref<10000x128xf32, #tpu.memory_space<hbm>> -> memref<10000x128xf32, #tpu.memory_space<hbm>>
          tpu.wait_indirect_dma semaphore(%run_scoped3A_310 : memref<!tpu.dma_semaphore, #tpu.memory_space<semaphore_mem>>) src(%dma_wait3A_324 : memref<10000x128xf32, #tpu.memory_space<hbm>>) dst(%dma_wait3A_320 : memref<128x128xf32, #tpu.memory_space<vmem>>)
          tpu.yield
        }) : () -> ()
        %run_scoped3A = arith.constant 0 : i32
        "tpu.region"() ({
          %run_scoped3A_310 = tpu.sem_alloc : memref<!tpu.dma_semaphore, #tpu.memory_space<semaphore_mem>>
          %dma_start3A_311 = arith.constant 0 : i32
          %dma_start3A_312 = arith.constant 0 : i32
          %dma_start3A_313 = tpu.memref_slice %arg16[%dma_start3A_311, %dma_start3A_312] : memref<256x128xf32, #tpu.memory_space<vmem>> -> memref<128x128xf32, #tpu.memory_space<vmem>>
          %dma_start3A_314 = arith.constant 0 : i32
          %dma_start3A_315 = tpu.memref_slice %arg15[%run_scoped3A, %dma_start3A_314] : memref<1x128xi32, #tpu.memory_space<vmem>> -> memref<1x128xi32, #tpu.memory_space<vmem>>
          %dma_start3A_316 = tpu.memref_squeeze %dma_start3A_315 : memref<1x128xi32, #tpu.memory_space<vmem>> -> memref<128xi32, #tpu.memory_space<vmem>>
          %dma_start3A_317 = arith.constant 0 : i32
          %dma_start3A_318 = arith.constant 0 : i32
          %dma_start3A_319 = tpu.memref_slice %arg23[%dma_start3A_317, %dma_start3A_318] : memref<2176x128xf32, #tpu.memory_space<vmem_shared>> -> memref<2176x128xf32, #tpu.memory_space<vmem_shared>>
          tpu.enqueue_indirect_dma source(%dma_start3A_313 : memref<128x128xf32, #tpu.memory_space<vmem>>) target(%dma_start3A_319 : memref<2176x128xf32, #tpu.memory_space<vmem_shared>>) offsets(%dma_start3A_316 : memref<128xi32, #tpu.memory_space<vmem>>) semaphore(%run_scoped3A_310 : memref<!tpu.dma_semaphore, #tpu.memory_space<semaphore_mem>>) {add = true}
          %dma_wait3A_320 = arith.constant 0 : i32
          %dma_wait3A_321 = arith.constant 0 : i32
          %dma_wait3A_322 = tpu.memref_slice %arg16[%dma_wait3A_320, %dma_wait3A_321] : memref<256x128xf32, #tpu.memory_space<vmem>> -> memref<128x128xf32, #tpu.memory_space<vmem>>
          %dma_wait3A_323 = arith.constant 0 : i32
          %dma_wait3A_324 = tpu.memref_slice %arg15[%run_scoped3A, %dma_wait3A_323] : memref<1x128xi32, #tpu.memory_space<vmem>> -> memref<1x128xi32, #tpu.memory_space<vmem>>
          %dma_wait3A_325 = tpu.memref_squeeze %dma_wait3A_324 : memref<1x128xi32, #tpu.memory_space<vmem>> -> memref<128xi32, #tpu.memory_space<vmem>>
          %dma_wait3A_326 = arith.constant 0 : i32
          %dma_wait3A_327 = arith.constant 0 : i32
          %dma_wait3A_328 = tpu.memref_slice %arg23[%dma_wait3A_326, %dma_wait3A_327] : memref<2176x128xf32, #tpu.memory_space<vmem_shared>> -> memref<2176x128xf32, #tpu.memory_space<vmem_shared>>
          tpu.wait_indirect_dma semaphore(%run_scoped3A_310 : memref<!tpu.dma_semaphore, #tpu.memory_space<semaphore_mem>>) src(%dma_wait3A_322 : memref<128x128xf32, #tpu.memory_space<vmem>>) dst(%dma_wait3A_328 : memref<2176x128xf32, #tpu.memory_space<vmem_shared>>)
          tpu.yield
        }) : () -> ()
        %while3A_309 = arith.constant 0 : i32
        scf.yield %while3A_309 : i32
      }
    }
    %scan3A_31 = arith.constant 5 : i32
    %mul3A_32 = arith.constant 2176 : i32
    %mul3A_33 = arith.muli %arg1, %mul3A_32 : i32
    "tpu.region"() ({
      %run_scoped3A = tpu.sem_alloc : memref<!tpu.dma_semaphore, #tpu.memory_space<semaphore_mem>>
      %dma_start3A_69 = tpu.memref_slice %arg24[%mul3A_33] : memref<34816xf32, #tpu.memory_space<vmem_shared>> -> memref<2176xf32, #tpu.memory_space<vmem_shared>>
      %dma_start3A_70 = tpu.memref_slice %arg24[%mul3A_33] : memref<34816xf32, #tpu.memory_space<vmem_shared>> -> memref<2176xf32, #tpu.memory_space<vmem_shared>>
      tpu.enqueue_dma source(%arg17 : memref<2176xf32, #tpu.memory_space<vmem>>) target(%dma_start3A_70 : memref<2176xf32, #tpu.memory_space<vmem_shared>>) target_semaphore(%run_scoped3A : memref<!tpu.dma_semaphore, #tpu.memory_space<semaphore_mem>>)
      %dma_wait3A_71 = tpu.memref_slice %arg24[%mul3A_33] : memref<34816xf32, #tpu.memory_space<vmem_shared>> -> memref<2176xf32, #tpu.memory_space<vmem_shared>>
      %dma_wait3A_72 = tpu.memref_slice %arg24[%mul3A_33] : memref<34816xf32, #tpu.memory_space<vmem_shared>> -> memref<2176xf32, #tpu.memory_space<vmem_shared>>
      tpu.wait_dma2 semaphore(%run_scoped3A : memref<!tpu.dma_semaphore, #tpu.memory_space<semaphore_mem>>) src(%arg17 : memref<2176xf32, #tpu.memory_space<vmem>>) dst(%dma_wait3A_72 : memref<2176xf32, #tpu.memory_space<vmem_shared>>)
      tpu.yield
    }) : () -> ()
    %mul3A_34 = arith.constant 64 : i32
    %mul3A_35 = arith.muli %add3A, %mul3A_34 : i32
    "tpu.region"() ({
      %run_scoped3A = tpu.sem_alloc : memref<!tpu.dma_semaphore, #tpu.memory_space<semaphore_mem>>
      %dma_start3A_69 = arith.constant 0 : i32
      %dma_start3A_70 = arith.constant 0 : i32
      %dma_start3A_71 = tpu.memref_slice %arg16[%dma_start3A_69, %dma_start3A_70] : memref<256x128xf32, #tpu.memory_space<vmem>> -> memref<64x128xf32, #tpu.memory_space<vmem>>
      %dma_start3A_72 = tpu.memref_slice %arg10[%mul3A_35] : memref<2048xi32, #tpu.memory_space<vmem>> -> memref<64xi32, #tpu.memory_space<vmem>>
      %dma_start3A_73 = arith.constant 0 : i32
      %dma_start3A_74 = arith.constant 0 : i32
      %dma_start3A_75 = tpu.memref_slice %arg2[%dma_start3A_73, %dma_start3A_74] : memref<10000x128xf32, #tpu.memory_space<hbm>> -> memref<10000x128xf32, #tpu.memory_space<hbm>>
      tpu.enqueue_indirect_dma source(%dma_start3A_75 : memref<10000x128xf32, #tpu.memory_space<hbm>>) target(%dma_start3A_71 : memref<64x128xf32, #tpu.memory_space<vmem>>) offsets(%dma_start3A_72 : memref<64xi32, #tpu.memory_space<vmem>>) semaphore(%run_scoped3A : memref<!tpu.dma_semaphore, #tpu.memory_space<semaphore_mem>>)
      %dma_wait3A_76 = arith.constant 0 : i32
      %dma_wait3A_77 = arith.constant 0 : i32
      %dma_wait3A_78 = tpu.memref_slice %arg16[%dma_wait3A_76, %dma_wait3A_77] : memref<256x128xf32, #tpu.memory_space<vmem>> -> memref<64x128xf32, #tpu.memory_space<vmem>>
      %dma_wait3A_79 = tpu.memref_slice %arg10[%mul3A_35] : memref<2048xi32, #tpu.memory_space<vmem>> -> memref<64xi32, #tpu.memory_space<vmem>>
      %dma_wait3A_80 = arith.constant 0 : i32
      %dma_wait3A_81 = arith.constant 0 : i32
      %dma_wait3A_82 = tpu.memref_slice %arg2[%dma_wait3A_80, %dma_wait3A_81] : memref<10000x128xf32, #tpu.memory_space<hbm>> -> memref<10000x128xf32, #tpu.memory_space<hbm>>
      tpu.wait_indirect_dma semaphore(%run_scoped3A : memref<!tpu.dma_semaphore, #tpu.memory_space<semaphore_mem>>) src(%dma_wait3A_82 : memref<10000x128xf32, #tpu.memory_space<hbm>>) dst(%dma_wait3A_78 : memref<64x128xf32, #tpu.memory_space<vmem>>)
      tpu.yield
    }) : () -> ()
    %mul3A_36 = arith.constant 64 : i32
    %mul3A_37 = arith.muli %add3A, %mul3A_36 : i32
    "tpu.region"() ({
      %run_scoped3A = tpu.sem_alloc : memref<!tpu.dma_semaphore, #tpu.memory_space<semaphore_mem>>
      %dma_start3A_69 = arith.constant 0 : i32
      %dma_start3A_70 = arith.constant 0 : i32
      %dma_start3A_71 = tpu.memref_slice %arg16[%dma_start3A_69, %dma_start3A_70] : memref<256x128xf32, #tpu.memory_space<vmem>> -> memref<64x128xf32, #tpu.memory_space<vmem>>
      %dma_start3A_72 = arith.constant 0 : i32
      %dma_start3A_73 = tpu.memref_slice %arg6[%mul3A_37, %dma_start3A_72] : memref<2048x128xf32, #tpu.memory_space<hbm>> -> memref<64x128xf32, #tpu.memory_space<hbm>>
      %dma_start3A_74 = arith.constant 0 : i32
      %dma_start3A_75 = tpu.memref_slice %arg6[%mul3A_37, %dma_start3A_74] : memref<2048x128xf32, #tpu.memory_space<hbm>> -> memref<64x128xf32, #tpu.memory_space<hbm>>
      %dma_start3A_76 = arith.constant 0 : i32
      %dma_start3A_77 = arith.constant 0 : i32
      %dma_start3A_78 = tpu.memref_slice %arg16[%dma_start3A_76, %dma_start3A_77] : memref<256x128xf32, #tpu.memory_space<vmem>> -> memref<64x128xf32, #tpu.memory_space<vmem>>
      tpu.enqueue_dma source(%dma_start3A_78 : memref<64x128xf32, #tpu.memory_space<vmem>>) target(%dma_start3A_75 : memref<64x128xf32, #tpu.memory_space<hbm>>) target_semaphore(%run_scoped3A : memref<!tpu.dma_semaphore, #tpu.memory_space<semaphore_mem>>)
      %dma_wait3A_79 = arith.constant 0 : i32
      %dma_wait3A_80 = arith.constant 0 : i32
      %dma_wait3A_81 = tpu.memref_slice %arg16[%dma_wait3A_79, %dma_wait3A_80] : memref<256x128xf32, #tpu.memory_space<vmem>> -> memref<64x128xf32, #tpu.memory_space<vmem>>
      %dma_wait3A_82 = arith.constant 0 : i32
      %dma_wait3A_83 = tpu.memref_slice %arg6[%mul3A_37, %dma_wait3A_82] : memref<2048x128xf32, #tpu.memory_space<hbm>> -> memref<64x128xf32, #tpu.memory_space<hbm>>
      %dma_wait3A_84 = arith.constant 0 : i32
      %dma_wait3A_85 = tpu.memref_slice %arg6[%mul3A_37, %dma_wait3A_84] : memref<2048x128xf32, #tpu.memory_space<hbm>> -> memref<64x128xf32, #tpu.memory_space<hbm>>
      %dma_wait3A_86 = arith.constant 0 : i32
      %dma_wait3A_87 = arith.constant 0 : i32
      %dma_wait3A_88 = tpu.memref_slice %arg16[%dma_wait3A_86, %dma_wait3A_87] : memref<256x128xf32, #tpu.memory_space<vmem>> -> memref<64x128xf32, #tpu.memory_space<vmem>>
      tpu.wait_dma2 semaphore(%run_scoped3A : memref<!tpu.dma_semaphore, #tpu.memory_space<semaphore_mem>>) src(%dma_wait3A_88 : memref<64x128xf32, #tpu.memory_space<vmem>>) dst(%dma_wait3A_85 : memref<64x128xf32, #tpu.memory_space<hbm>>)
      tpu.yield
    }) : () -> ()
    %barrier3A_38 = arith.constant 0 : index
    tpu.barrier barrier_id(%barrier3A_38)
    %scan3A_39 = arith.constant 0 : i32
    %scan3A_40 = arith.constant 8 : i32
    %scan3A_41 = arith.addi %scan3A_39, %scan3A_40 : i32
    %scan3A_42 = arith.constant 1 : i32
    scf.for %scan3A_69 = %scan3A_39 to %scan3A_41 step %scan3A_42  : i32 {
      %mul3A_70 = arith.constant 1 : i32
      %mul3A_71 = arith.muli %scan3A_69, %mul3A_70 : i32
      %add3A_72 = arith.constant 0 : i32
      %add3A_73 = arith.addi %add3A_72, %mul3A_71 : i32
      %broadcast_in_dim3A_74 = arith.constant 0.000000e+00 : f32
      %broadcast_in_dim3A_75 = vector.broadcast %broadcast_in_dim3A_74 : f32 to vector<16xf32>
      %mul3A_76 = arith.constant 16 : i32
      %mul3A_77 = arith.muli %add3A_73, %mul3A_76 : i32
      %swap3A = arith.index_cast %mul3A_77 : i32 to index
      %swap3A_78 = tpu.vector_load %arg19[%swap3A] {strides = array<i32>} : memref<128xf32, #tpu.memory_space<vmem>>, vector<16xf32>,
      tpu.vector_store %arg19[%swap3A], %broadcast_in_dim3A_75 {strides = array<i32>} : memref<128xf32, #tpu.memory_space<vmem>>, vector<16xf32>,
    }
    %scan3A_43 = arith.constant 8 : i32
    %scan3A_44 = arith.constant 0 : i32
    %scan3A_45 = arith.constant 16 : i32
    %scan3A_46 = arith.addi %scan3A_44, %scan3A_45 : i32
    %scan3A_47 = arith.constant 1 : i32
    scf.for %scan3A_69 = %scan3A_44 to %scan3A_46 step %scan3A_47  : i32 {
      %mul3A_70 = arith.constant 1 : i32
      %mul3A_71 = arith.muli %scan3A_69, %mul3A_70 : i32
      %add3A_72 = arith.constant 0 : i32
      %add3A_73 = arith.addi %add3A_72, %mul3A_71 : i32
      %mul3A_74 = arith.constant 2176 : i32
      %mul3A_75 = arith.muli %add3A_73, %mul3A_74 : i32
      %mul3A_76 = arith.constant 128 : i32
      %mul3A_77 = arith.muli %arg1, %mul3A_76 : i32
      %add3A_78 = arith.addi %mul3A_75, %mul3A_77 : i32
      "tpu.region"() ({
        %run_scoped3A = tpu.sem_alloc : memref<!tpu.dma_semaphore, #tpu.memory_space<semaphore_mem>>
        %dma_start3A_109 = tpu.memref_slice %arg24[%add3A_78] : memref<34816xf32, #tpu.memory_space<vmem_shared>> -> memref<128xf32, #tpu.memory_space<vmem_shared>>
        %dma_start3A_110 = tpu.memref_slice %arg24[%add3A_78] : memref<34816xf32, #tpu.memory_space<vmem_shared>> -> memref<128xf32, #tpu.memory_space<vmem_shared>>
        tpu.enqueue_dma source(%dma_start3A_110 : memref<128xf32, #tpu.memory_space<vmem_shared>>) target(%arg18 : memref<128xf32, #tpu.memory_space<vmem>>) target_semaphore(%run_scoped3A : memref<!tpu.dma_semaphore, #tpu.memory_space<semaphore_mem>>)
        %dma_wait3A_111 = tpu.memref_slice %arg24[%add3A_78] : memref<34816xf32, #tpu.memory_space<vmem_shared>> -> memref<128xf32, #tpu.memory_space<vmem_shared>>
        %dma_wait3A_112 = tpu.memref_slice %arg24[%add3A_78] : memref<34816xf32, #tpu.memory_space<vmem_shared>> -> memref<128xf32, #tpu.memory_space<vmem_shared>>
        tpu.wait_dma2 semaphore(%run_scoped3A : memref<!tpu.dma_semaphore, #tpu.memory_space<semaphore_mem>>) src(%dma_wait3A_112 : memref<128xf32, #tpu.memory_space<vmem_shared>>) dst(%arg18 : memref<128xf32, #tpu.memory_space<vmem>>)
        tpu.yield
      }) : () -> ()
      %get3A = arith.constant 0 : index
      %get3A_79 = tpu.vector_load %arg18[%get3A] {strides = array<i32>} : memref<128xf32, #tpu.memory_space<vmem>>, vector<16xf32>,
      %swap3A = arith.constant 0 : index
      %swap3A_80 = tpu.vector_load %arg19[%swap3A] {strides = array<i32>} : memref<128xf32, #tpu.memory_space<vmem>>, vector<16xf32>,
      tpu.vector_store %arg19[%swap3A], %get3A_79 {add = true, strides = array<i32>} : memref<128xf32, #tpu.memory_space<vmem>>, vector<16xf32>,
      %get3A_81 = arith.constant 16 : index
      %get3A_82 = tpu.vector_load %arg18[%get3A_81] {strides = array<i32>} : memref<128xf32, #tpu.memory_space<vmem>>, vector<16xf32>,
      %swap3A_83 = arith.constant 16 : index
      %swap3A_84 = tpu.vector_load %arg19[%swap3A_83] {strides = array<i32>} : memref<128xf32, #tpu.memory_space<vmem>>, vector<16xf32>,
      tpu.vector_store %arg19[%swap3A_83], %get3A_82 {add = true, strides = array<i32>} : memref<128xf32, #tpu.memory_space<vmem>>, vector<16xf32>,
      %get3A_85 = arith.constant 32 : index
      %get3A_86 = tpu.vector_load %arg18[%get3A_85] {strides = array<i32>} : memref<128xf32, #tpu.memory_space<vmem>>, vector<16xf32>,
      %swap3A_87 = arith.constant 32 : index
      %swap3A_88 = tpu.vector_load %arg19[%swap3A_87] {strides = array<i32>} : memref<128xf32, #tpu.memory_space<vmem>>, vector<16xf32>,
      tpu.vector_store %arg19[%swap3A_87], %get3A_86 {add = true, strides = array<i32>} : memref<128xf32, #tpu.memory_space<vmem>>, vector<16xf32>,
      %get3A_89 = arith.constant 48 : index
      %get3A_90 = tpu.vector_load %arg18[%get3A_89] {strides = array<i32>} : memref<128xf32, #tpu.memory_space<vmem>>, vector<16xf32>,
      %swap3A_91 = arith.constant 48 : index
      %swap3A_92 = tpu.vector_load %arg19[%swap3A_91] {strides = array<i32>} : memref<128xf32, #tpu.memory_space<vmem>>, vector<16xf32>,
      tpu.vector_store %arg19[%swap3A_91], %get3A_90 {add = true, strides = array<i32>} : memref<128xf32, #tpu.memory_space<vmem>>, vector<16xf32>,
      %get3A_93 = arith.constant 64 : index
      %get3A_94 = tpu.vector_load %arg18[%get3A_93] {strides = array<i32>} : memref<128xf32, #tpu.memory_space<vmem>>, vector<16xf32>,
      %swap3A_95 = arith.constant 64 : index
      %swap3A_96 = tpu.vector_load %arg19[%swap3A_95] {strides = array<i32>} : memref<128xf32, #tpu.memory_space<vmem>>, vector<16xf32>,
      tpu.vector_store %arg19[%swap3A_95], %get3A_94 {add = true, strides = array<i32>} : memref<128xf32, #tpu.memory_space<vmem>>, vector<16xf32>,
      %get3A_97 = arith.constant 80 : index
      %get3A_98 = tpu.vector_load %arg18[%get3A_97] {strides = array<i32>} : memref<128xf32, #tpu.memory_space<vmem>>, vector<16xf32>,
      %swap3A_99 = arith.constant 80 : index
      %swap3A_100 = tpu.vector_load %arg19[%swap3A_99] {strides = array<i32>} : memref<128xf32, #tpu.memory_space<vmem>>, vector<16xf32>,
      tpu.vector_store %arg19[%swap3A_99], %get3A_98 {add = true, strides = array<i32>} : memref<128xf32, #tpu.memory_space<vmem>>, vector<16xf32>,
      %get3A_101 = arith.constant 96 : index
      %get3A_102 = tpu.vector_load %arg18[%get3A_101] {strides = array<i32>} : memref<128xf32, #tpu.memory_space<vmem>>, vector<16xf32>,
      %swap3A_103 = arith.constant 96 : index
      %swap3A_104 = tpu.vector_load %arg19[%swap3A_103] {strides = array<i32>} : memref<128xf32, #tpu.memory_space<vmem>>, vector<16xf32>,
      tpu.vector_store %arg19[%swap3A_103], %get3A_102 {add = true, strides = array<i32>} : memref<128xf32, #tpu.memory_space<vmem>>, vector<16xf32>,
      %get3A_105 = arith.constant 112 : index
      %get3A_106 = tpu.vector_load %arg18[%get3A_105] {strides = array<i32>} : memref<128xf32, #tpu.memory_space<vmem>>, vector<16xf32>,
      %swap3A_107 = arith.constant 112 : index
      %swap3A_108 = tpu.vector_load %arg19[%swap3A_107] {strides = array<i32>} : memref<128xf32, #tpu.memory_space<vmem>>, vector<16xf32>,
      tpu.vector_store %arg19[%swap3A_107], %get3A_106 {add = true, strides = array<i32>} : memref<128xf32, #tpu.memory_space<vmem>>, vector<16xf32>,
    }
    %scan3A_48 = arith.constant 16 : i32
    %mul3A_49 = arith.constant 128 : i32
    %mul3A_50 = arith.muli %arg1, %mul3A_49 : i32
    "tpu.region"() ({
      %run_scoped3A = tpu.sem_alloc : memref<!tpu.dma_semaphore, #tpu.memory_space<semaphore_mem>>
      %dma_start3A_69 = tpu.memref_slice %arg25[%mul3A_50] : memref<2048xf32, #tpu.memory_space<vmem_shared>> -> memref<128xf32, #tpu.memory_space<vmem_shared>>
      %dma_start3A_70 = tpu.memref_slice %arg25[%mul3A_50] : memref<2048xf32, #tpu.memory_space<vmem_shared>> -> memref<128xf32, #tpu.memory_space<vmem_shared>>
      tpu.enqueue_dma source(%arg19 : memref<128xf32, #tpu.memory_space<vmem>>) target(%dma_start3A_70 : memref<128xf32, #tpu.memory_space<vmem_shared>>) target_semaphore(%run_scoped3A : memref<!tpu.dma_semaphore, #tpu.memory_space<semaphore_mem>>)
      %dma_wait3A_71 = tpu.memref_slice %arg25[%mul3A_50] : memref<2048xf32, #tpu.memory_space<vmem_shared>> -> memref<128xf32, #tpu.memory_space<vmem_shared>>
      %dma_wait3A_72 = tpu.memref_slice %arg25[%mul3A_50] : memref<2048xf32, #tpu.memory_space<vmem_shared>> -> memref<128xf32, #tpu.memory_space<vmem_shared>>
      tpu.wait_dma2 semaphore(%run_scoped3A : memref<!tpu.dma_semaphore, #tpu.memory_space<semaphore_mem>>) src(%arg19 : memref<128xf32, #tpu.memory_space<vmem>>) dst(%dma_wait3A_72 : memref<128xf32, #tpu.memory_space<vmem_shared>>)
      tpu.yield
    }) : () -> ()
    %barrier3A_51 = arith.constant 0 : index
    tpu.barrier barrier_id(%barrier3A_51)
    %scan3A_52 = arith.constant 0 : i32
    %scan3A_53 = arith.constant 8 : i32
    %scan3A_54 = arith.addi %scan3A_52, %scan3A_53 : i32
    %scan3A_55 = arith.constant 1 : i32
    scf.for %scan3A_69 = %scan3A_52 to %scan3A_54 step %scan3A_55  : i32 {
      %mul3A_70 = arith.constant 1 : i32
      %mul3A_71 = arith.muli %scan3A_69, %mul3A_70 : i32
      %add3A_72 = arith.constant 0 : i32
      %add3A_73 = arith.addi %add3A_72, %mul3A_71 : i32
      %mul3A_74 = arith.constant 128 : i32
      %mul3A_75 = arith.muli %arg1, %mul3A_74 : i32
      %mul3A_76 = arith.constant 16 : i32
      %mul3A_77 = arith.muli %add3A_73, %mul3A_76 : i32
      %add3A_78 = arith.addi %mul3A_75, %mul3A_77 : i32
      %get3A = arith.index_cast %add3A_78 : i32 to index
      %get3A_79 = tpu.vector_load %arg10[%get3A] {strides = array<i32>} : memref<2048xi32, #tpu.memory_space<vmem>>, vector<16xi32>,
      %gather3A = tpu.vector_load_idx %arg9[%get3A_79] : memref<10000xi32, #tpu.memory_space<vmem>>[vector<16xi32>], vector<16xi32>,
      %mul3A_80 = arith.constant 16 : i32
      %mul3A_81 = arith.muli %add3A_73, %mul3A_80 : i32
      %swap3A = arith.index_cast %mul3A_81 : i32 to index
      %swap3A_82 = tpu.vector_load %arg22[%swap3A] {strides = array<i32>} : memref<128xi32, #tpu.memory_space<vmem>>, vector<16xi32>,
      tpu.vector_store %arg22[%swap3A], %gather3A {strides = array<i32>} : memref<128xi32, #tpu.memory_space<vmem>>, vector<16xi32>,
    }
    %scan3A_56 = arith.constant 8 : i32
    "tpu.region"() ({
      %run_scoped3A = tpu.sem_alloc : memref<!tpu.dma_semaphore, #tpu.memory_space<semaphore_mem>>
      tpu.enqueue_dma source(%arg25 : memref<2048xf32, #tpu.memory_space<vmem_shared>>) target(%arg20 : memref<2048xf32, #tpu.memory_space<vmem>>) target_semaphore(%run_scoped3A : memref<!tpu.dma_semaphore, #tpu.memory_space<semaphore_mem>>)
      tpu.wait_dma2 semaphore(%run_scoped3A : memref<!tpu.dma_semaphore, #tpu.memory_space<semaphore_mem>>) src(%arg25 : memref<2048xf32, #tpu.memory_space<vmem_shared>>) dst(%arg20 : memref<2048xf32, #tpu.memory_space<vmem>>)
      tpu.yield
    }) : () -> ()
    %scan3A_57 = arith.constant 0 : i32
    %scan3A_58 = arith.constant 8 : i32
    %scan3A_59 = arith.addi %scan3A_57, %scan3A_58 : i32
    %scan3A_60 = arith.constant 1 : i32
    scf.for %scan3A_69 = %scan3A_57 to %scan3A_59 step %scan3A_60  : i32 {
      %mul3A_70 = arith.constant 1 : i32
      %mul3A_71 = arith.muli %scan3A_69, %mul3A_70 : i32
      %add3A_72 = arith.constant 0 : i32
      %add3A_73 = arith.addi %add3A_72, %mul3A_71 : i32
      %mul3A_74 = arith.constant 16 : i32
      %mul3A_75 = arith.muli %add3A_73, %mul3A_74 : i32
      %get3A = arith.index_cast %mul3A_75 : i32 to index
      %get3A_76 = tpu.vector_load %arg22[%get3A] {strides = array<i32>} : memref<128xi32, #tpu.memory_space<vmem>>, vector<16xi32>,
      %gather3A = tpu.vector_load_idx %arg20[%get3A_76] : memref<2048xf32, #tpu.memory_space<vmem>>[vector<16xi32>], vector<16xf32>,
      %mul3A_77 = arith.constant 16 : i32
      %mul3A_78 = arith.muli %add3A_73, %mul3A_77 : i32
      %swap3A = arith.index_cast %mul3A_78 : i32 to index
      %swap3A_79 = tpu.vector_load %arg21[%swap3A] {strides = array<i32>} : memref<128xf32, #tpu.memory_space<vmem>>, vector<16xf32>,
      tpu.vector_store %arg21[%swap3A], %gather3A {strides = array<i32>} : memref<128xf32, #tpu.memory_space<vmem>>, vector<16xf32>,
    }
    %scan3A_61 = arith.constant 8 : i32
    "tpu.region"() ({
      %run_scoped3A = tpu.sem_alloc : memref<!tpu.dma_semaphore, #tpu.memory_space<semaphore_mem>>
      %dma_start3A_69 = arith.constant 0 : i32
      %dma_start3A_70 = arith.constant 0 : i32
      %dma_start3A_71 = tpu.memref_slice %arg16[%dma_start3A_69, %dma_start3A_70] : memref<256x128xf32, #tpu.memory_space<vmem>> -> memref<128x128xf32, #tpu.memory_space<vmem>>
      %dma_start3A_72 = arith.constant 0 : i32
      %dma_start3A_73 = arith.constant 0 : i32
      %dma_start3A_74 = tpu.memref_slice %arg23[%dma_start3A_72, %dma_start3A_73] : memref<2176x128xf32, #tpu.memory_space<vmem_shared>> -> memref<2176x128xf32, #tpu.memory_space<vmem_shared>>
      tpu.enqueue_indirect_dma source(%dma_start3A_74 : memref<2176x128xf32, #tpu.memory_space<vmem_shared>>) target(%dma_start3A_71 : memref<128x128xf32, #tpu.memory_space<vmem>>) offsets(%arg22 : memref<128xi32, #tpu.memory_space<vmem>>) semaphore(%run_scoped3A : memref<!tpu.dma_semaphore, #tpu.memory_space<semaphore_mem>>)
      %dma_wait3A_75 = arith.constant 0 : i32
      %dma_wait3A_76 = arith.constant 0 : i32
      %dma_wait3A_77 = tpu.memref_slice %arg16[%dma_wait3A_75, %dma_wait3A_76] : memref<256x128xf32, #tpu.memory_space<vmem>> -> memref<128x128xf32, #tpu.memory_space<vmem>>
      %dma_wait3A_78 = arith.constant 0 : i32
      %dma_wait3A_79 = arith.constant 0 : i32
      %dma_wait3A_80 = tpu.memref_slice %arg23[%dma_wait3A_78, %dma_wait3A_79] : memref<2176x128xf32, #tpu.memory_space<vmem_shared>> -> memref<2176x128xf32, #tpu.memory_space<vmem_shared>>
      tpu.wait_indirect_dma semaphore(%run_scoped3A : memref<!tpu.dma_semaphore, #tpu.memory_space<semaphore_mem>>) src(%dma_wait3A_80 : memref<2176x128xf32, #tpu.memory_space<vmem_shared>>) dst(%dma_wait3A_77 : memref<128x128xf32, #tpu.memory_space<vmem>>)
      tpu.yield
    }) : () -> ()
    %mul3A_62 = arith.constant 128 : i32
    %mul3A_63 = arith.muli %arg1, %mul3A_62 : i32
    "tpu.region"() ({
      %run_scoped3A = tpu.sem_alloc : memref<!tpu.dma_semaphore, #tpu.memory_space<semaphore_mem>>
      %dma_start3A_69 = arith.constant 0 : i32
      %dma_start3A_70 = arith.constant 0 : i32
      %dma_start3A_71 = tpu.memref_slice %arg16[%dma_start3A_69, %dma_start3A_70] : memref<256x128xf32, #tpu.memory_space<vmem>> -> memref<128x128xf32, #tpu.memory_space<vmem>>
      %dma_start3A_72 = arith.constant 0 : i32
      %dma_start3A_73 = tpu.memref_slice %arg7[%arg0, %mul3A_63, %dma_start3A_72] : memref<2x2048x128xf32, #tpu.memory_space<hbm>> -> memref<1x128x128xf32, #tpu.memory_space<hbm>>
      %dma_start3A_74 = tpu.memref_squeeze %dma_start3A_73 : memref<1x128x128xf32, #tpu.memory_space<hbm>> -> memref<128x128xf32, #tpu.memory_space<hbm>>
      %dma_start3A_75 = arith.constant 0 : i32
      %dma_start3A_76 = tpu.memref_slice %arg7[%arg0, %mul3A_63, %dma_start3A_75] : memref<2x2048x128xf32, #tpu.memory_space<hbm>> -> memref<1x128x128xf32, #tpu.memory_space<hbm>>
      %dma_start3A_77 = tpu.memref_squeeze %dma_start3A_76 : memref<1x128x128xf32, #tpu.memory_space<hbm>> -> memref<128x128xf32, #tpu.memory_space<hbm>>
      %dma_start3A_78 = arith.constant 0 : i32
      %dma_start3A_79 = arith.constant 0 : i32
      %dma_start3A_80 = tpu.memref_slice %arg16[%dma_start3A_78, %dma_start3A_79] : memref<256x128xf32, #tpu.memory_space<vmem>> -> memref<128x128xf32, #tpu.memory_space<vmem>>
      tpu.enqueue_dma source(%dma_start3A_80 : memref<128x128xf32, #tpu.memory_space<vmem>>) target(%dma_start3A_77 : memref<128x128xf32, #tpu.memory_space<hbm>>) target_semaphore(%run_scoped3A : memref<!tpu.dma_semaphore, #tpu.memory_space<semaphore_mem>>)
      %dma_wait3A_81 = arith.constant 0 : i32
      %dma_wait3A_82 = arith.constant 0 : i32
      %dma_wait3A_83 = tpu.memref_slice %arg16[%dma_wait3A_81, %dma_wait3A_82] : memref<256x128xf32, #tpu.memory_space<vmem>> -> memref<128x128xf32, #tpu.memory_space<vmem>>
      %dma_wait3A_84 = arith.constant 0 : i32
      %dma_wait3A_85 = tpu.memref_slice %arg7[%arg0, %mul3A_63, %dma_wait3A_84] : memref<2x2048x128xf32, #tpu.memory_space<hbm>> -> memref<1x128x128xf32, #tpu.memory_space<hbm>>
      %dma_wait3A_86 = tpu.memref_squeeze %dma_wait3A_85 : memref<1x128x128xf32, #tpu.memory_space<hbm>> -> memref<128x128xf32, #tpu.memory_space<hbm>>
      %dma_wait3A_87 = arith.constant 0 : i32
      %dma_wait3A_88 = tpu.memref_slice %arg7[%arg0, %mul3A_63, %dma_wait3A_87] : memref<2x2048x128xf32, #tpu.memory_space<hbm>> -> memref<1x128x128xf32, #tpu.memory_space<hbm>>
      %dma_wait3A_89 = tpu.memref_squeeze %dma_wait3A_88 : memref<1x128x128xf32, #tpu.memory_space<hbm>> -> memref<128x128xf32, #tpu.memory_space<hbm>>
      %dma_wait3A_90 = arith.constant 0 : i32
      %dma_wait3A_91 = arith.constant 0 : i32
      %dma_wait3A_92 = tpu.memref_slice %arg16[%dma_wait3A_90, %dma_wait3A_91] : memref<256x128xf32, #tpu.memory_space<vmem>> -> memref<128x128xf32, #tpu.memory_space<vmem>>
      tpu.wait_dma2 semaphore(%run_scoped3A : memref<!tpu.dma_semaphore, #tpu.memory_space<semaphore_mem>>) src(%dma_wait3A_92 : memref<128x128xf32, #tpu.memory_space<vmem>>) dst(%dma_wait3A_89 : memref<128x128xf32, #tpu.memory_space<hbm>>)
      tpu.yield
    }) : () -> ()
    %mul3A_64 = arith.constant 2048 : i32
    %mul3A_65 = arith.muli %arg0, %mul3A_64 : i32
    %mul3A_66 = arith.constant 128 : i32
    %mul3A_67 = arith.muli %arg1, %mul3A_66 : i32
    %add3A_68 = arith.addi %mul3A_65, %mul3A_67 : i32
    "tpu.region"() ({
      %run_scoped3A = tpu.sem_alloc : memref<!tpu.dma_semaphore, #tpu.memory_space<semaphore_mem>>
      %dma_start3A_69 = tpu.memref_slice %arg8[%add3A_68] : memref<4096xf32, #tpu.memory_space<hbm>> -> memref<128xf32, #tpu.memory_space<hbm>>
      %dma_start3A_70 = tpu.memref_slice %arg8[%add3A_68] : memref<4096xf32, #tpu.memory_space<hbm>> -> memref<128xf32, #tpu.memory_space<hbm>>
      tpu.enqueue_dma source(%arg21 : memref<128xf32, #tpu.memory_space<vmem>>) target(%dma_start3A_70 : memref<128xf32, #tpu.memory_space<hbm>>) target_semaphore(%run_scoped3A : memref<!tpu.dma_semaphore, #tpu.memory_space<semaphore_mem>>)
      %dma_wait3A_71 = tpu.memref_slice %arg8[%add3A_68] : memref<4096xf32, #tpu.memory_space<hbm>> -> memref<128xf32, #tpu.memory_space<hbm>>
      %dma_wait3A_72 = tpu.memref_slice %arg8[%add3A_68] : memref<4096xf32, #tpu.memory_space<hbm>> -> memref<128xf32, #tpu.memory_space<hbm>>
      tpu.wait_dma2 semaphore(%run_scoped3A : memref<!tpu.dma_semaphore, #tpu.memory_space<semaphore_mem>>) src(%arg21 : memref<128xf32, #tpu.memory_space<vmem>>) dst(%dma_wait3A_72 : memref<128xf32, #tpu.memory_space<hbm>>)
      tpu.yield
    }) : () -> ()
    return
  }
}

module attributes {stable_mosaic.version = 14 : i64} {
  func.func @body(%arg0: memref<2048x128xf32, #tpu.memory_space<vmem>>, %arg1: memref<2x2048x128xf32, #tpu.memory_space<vmem>>, %arg2: memref<2x2048x1xf32, #tpu.memory_space<vmem>>, %arg3: memref<128x128xf32, #tpu.memory_space<vmem>>, %arg4: memref<128x128xf32, #tpu.memory_space<vmem>>, %arg5: memref<1x128xf32, #tpu.memory_space<vmem>>, %arg6: memref<128x128xf32, #tpu.memory_space<vmem>>, %arg7: memref<1x128xf32, #tpu.memory_space<vmem>>, %arg8: memref<2048x128xf32, #tpu.memory_space<vmem>>) attributes {dimension_semantics = [], scalar_prefetch = 0 : i64, scratch_operands = 0 : i64, tpu.core_type = #tpu.core_type<tc>} {
    %get3A = arith.constant 0 : index
    %get3A_0 = arith.constant 0 : index
    %get3A_1 = arith.constant 0 : index
    %get3A_2 = vector.load %arg1[%get3A, %get3A_0, %get3A_1] : memref<2x2048x128xf32, #tpu.memory_space<vmem>>, vector<1x2048x128xf32>
    %get3A_3 = vector.shape_cast %get3A_2 : vector<1x2048x128xf32> to vector<2048x128xf32>
    %get3A_4 = arith.constant 1 : index
    %get3A_5 = arith.constant 0 : index
    %get3A_6 = arith.constant 0 : index
    %get3A_7 = vector.load %arg1[%get3A_4, %get3A_5, %get3A_6] : memref<2x2048x128xf32, #tpu.memory_space<vmem>>, vector<1x2048x128xf32>
    %get3A_8 = vector.shape_cast %get3A_7 : vector<1x2048x128xf32> to vector<2048x128xf32>
    %add3A = arith.addf %get3A_3, %get3A_8 : vector<2048x128xf32>
    %get3A_9 = arith.constant 0 : index
    %get3A_10 = arith.constant 0 : index
    %get3A_11 = arith.constant 0 : index
    %get3A_12 = vector.load %arg2[%get3A_9, %get3A_10, %get3A_11] : memref<2x2048x1xf32, #tpu.memory_space<vmem>>, vector<1x2048x1xf32>
    %get3A_13 = vector.shape_cast %get3A_12 : vector<1x2048x1xf32> to vector<2048x1xf32>
    %get3A_14 = arith.constant 1 : index
    %get3A_15 = arith.constant 0 : index
    %get3A_16 = arith.constant 0 : index
    %get3A_17 = vector.load %arg2[%get3A_14, %get3A_15, %get3A_16] : memref<2x2048x1xf32, #tpu.memory_space<vmem>>, vector<1x2048x1xf32>
    %get3A_18 = vector.shape_cast %get3A_17 : vector<1x2048x1xf32> to vector<2048x1xf32>
    %add3A_19 = arith.addf %get3A_13, %get3A_18 : vector<2048x1xf32>
    %max3A = arith.constant 1.000000e+00 : f32
    %max3A_20 = vector.broadcast %max3A : f32 to vector<2048x1xf32>
    %max3A_21 = arith.maximumf %add3A_19, %max3A_20 : vector<2048x1xf32>
    %div3A = vector.broadcast %max3A_21 : vector<2048x1xf32> to vector<2048x128xf32>
    %div3A_22 = arith.divf %add3A, %div3A : vector<2048x128xf32>
    %get3A_23 = arith.constant 0 : index
    %get3A_24 = arith.constant 0 : index
    %get3A_25 = vector.load %arg0[%get3A_23, %get3A_24] : memref<2048x128xf32, #tpu.memory_space<vmem>>, vector<2048x128xf32>
    %get3A_26 = arith.constant 0 : index
    %get3A_27 = arith.constant 0 : index
    %get3A_28 = vector.load %arg3[%get3A_26, %get3A_27] : memref<128x128xf32, #tpu.memory_space<vmem>>, vector<128x128xf32>
    %dot_general3A = arith.constant dense<0.000000e+00> : vector<2048x128xf32>
    %dot_general3A_29 = tpu.matmul %get3A_25, %get3A_28, %dot_general3A {dimension_numbers = #tpu.dot_dimension_numbers<[1], [0], [0], [1], [0, 0, 1, 1], [], []>, transpose_lhs_hint = false} : vector<2048x128xf32>, vector<128x128xf32>, vector<2048x128xf32> -> vector<2048x128xf32>
    %get3A_30 = arith.constant 0 : index
    %get3A_31 = arith.constant 0 : index
    %get3A_32 = vector.load %arg4[%get3A_30, %get3A_31] : memref<128x128xf32, #tpu.memory_space<vmem>>, vector<128x128xf32>
    %dot_general3A_33 = arith.constant dense<0.000000e+00> : vector<2048x128xf32>
    %dot_general3A_34 = tpu.matmul %div3A_22, %get3A_32, %dot_general3A_33 {dimension_numbers = #tpu.dot_dimension_numbers<[1], [0], [0], [1], [0, 0, 1, 1], [], []>, transpose_lhs_hint = false} : vector<2048x128xf32>, vector<128x128xf32>, vector<2048x128xf32> -> vector<2048x128xf32>
    %add3A_35 = arith.addf %dot_general3A_29, %dot_general3A_34 : vector<2048x128xf32>
    %get3A_36 = arith.constant 0 : index
    %get3A_37 = arith.constant 0 : index
    %get3A_38 = vector.load %arg5[%get3A_36, %get3A_37] : memref<1x128xf32, #tpu.memory_space<vmem>>, vector<1x128xf32>
    %add3A_39 = vector.broadcast %get3A_38 : vector<1x128xf32> to vector<2048x128xf32>
    %add3A_40 = arith.addf %add3A_35, %add3A_39 : vector<2048x128xf32>
    %mul3A = arith.mulf %add3A_40, %add3A_40 : vector<2048x128xf32>
    %reduce_sum3A = arith.constant dense<0.000000e+00> : vector<2048xf32>
    %reduce_sum3A_41 = vector.multi_reduction <add>, %mul3A, %reduce_sum3A [1] : vector<2048x128xf32> to vector<2048xf32>
    %broadcast_in_dim3A = vector.shape_cast %reduce_sum3A_41 : vector<2048xf32> to vector<2048x1xf32>
    %max3A_42 = arith.constant 1.000000e-24 : f32
    %max3A_43 = vector.broadcast %max3A_42 : f32 to vector<2048x1xf32>
    %max3A_44 = arith.maximumf %broadcast_in_dim3A, %max3A_43 : vector<2048x1xf32>
    %rsqrt3A = math.rsqrt %max3A_44 : vector<2048x1xf32>
    %mul3A_45 = vector.broadcast %rsqrt3A : vector<2048x1xf32> to vector<2048x128xf32>
    %mul3A_46 = arith.mulf %add3A_40, %mul3A_45 : vector<2048x128xf32>
    %get3A_47 = arith.constant 0 : index
    %get3A_48 = arith.constant 0 : index
    %get3A_49 = vector.load %arg6[%get3A_47, %get3A_48] : memref<128x128xf32, #tpu.memory_space<vmem>>, vector<128x128xf32>
    %dot_general3A_50 = arith.constant dense<0.000000e+00> : vector<2048x128xf32>
    %dot_general3A_51 = tpu.matmul %mul3A_46, %get3A_49, %dot_general3A_50 {dimension_numbers = #tpu.dot_dimension_numbers<[1], [0], [0], [1], [0, 0, 1, 1], [], []>, transpose_lhs_hint = false} : vector<2048x128xf32>, vector<128x128xf32>, vector<2048x128xf32> -> vector<2048x128xf32>
    %get3A_52 = arith.constant 0 : index
    %get3A_53 = arith.constant 0 : index
    %get3A_54 = vector.load %arg7[%get3A_52, %get3A_53] : memref<1x128xf32, #tpu.memory_space<vmem>>, vector<1x128xf32>
    %add3A_55 = vector.broadcast %get3A_54 : vector<1x128xf32> to vector<2048x128xf32>
    %add3A_56 = arith.addf %dot_general3A_51, %add3A_55 : vector<2048x128xf32>
    %swap3A = arith.constant 0 : index
    %swap3A_57 = arith.constant 0 : index
    %swap3A_58 = vector.load %arg8[%swap3A, %swap3A_57] : memref<2048x128xf32, #tpu.memory_space<vmem>>, vector<2048x128xf32>
    tpu.vector_store %arg8[%swap3A, %swap3A_57], %add3A_56 {strides = array<i32>} : memref<2048x128xf32, #tpu.memory_space<vmem>>, vector<2048x128xf32>,
    return
  }
}

</mosaic_0001>

<sc_bundles>
// kernel: kernel.4.cloned.1.call-start
scs
__scs_entry_jumppad:
0x0: {  	(pc) =	sbr.rel $0x88, $3  }
0x1: {  	(tag) =	ssettag $0x0;
	lr =	simm.s32 $0x1  }
0x2: {  	[smem:$0x3F99] =	sst lr;
	_ =	strace $0xD0000000  }
0x3: {  	_ = 	snop  }
0x4: {  	_ = 	snop  }
0x5: {  	_ = 	snop  }
0x6: {  	_ = 	snop  }
0x7: {  	_ = 	snop  }
__scs_overlays_trampoline_lowered:
0x8: {  	[smem:$0x3FA8] =	sst s0  }
0x9: {  	[smem:$0x3FA9] =	sst s1  }
0xa: {  	[smem:$0x3FAA] =	sst s2  }
0xb: {  	[smem:$0x3FAB] =	sst s3  }
0xc: {  	[smem:$0x3FAC] =	sst s4  }
0xd: {  	[smem:$0x3FAD] =	sst s5  }
0xe: {  	[smem:$0x3FAE] =	sst s6  }
0xf: {  	[smem:$0x3FAF] =	sst s7  }
0x10: {  	[smem:$0x3FB0] =	sst s8  }
0x11: {  	[smem:$0x3FB1] =	sst s9;
	s0 =	simm.s32 @!p0 $0x0  }
0x12: {  	s1 =	sld [smem:$0x3F97];
	s0 =	simm.s32 @p0 $0x1  }
0x13: {  	[smem:$0x3FB2] =	sst s0;
	s0 =	simm.s32 @!p1 $0x0  }
0x14: {  	s2 =	sld [smem:$0x3F96];
	s0 =	simm.s32 @p1 $0x1  }
0x15: {  	[smem:$0x3FB3] =	sst s0;
	s0 =	simm.s32 @!p2 $0x0  }
0x16: {  	s3 =	sld [smem:$0x3FDB];
	s0 =	simm.s32 @p2 $0x1  }
0x17: {  	s4 =	simm.s32 $0x1BF5;
	[smem:$0x3FB5] =	sst s0  }
0x18: {  	s0 =	sld [smem:$0x3F98];
	_ =	swait.ge [sflag:s4], $0x0  }
0x19: {  	s7 =	sld [smem:$0x3F99]  }
0x1a: {  	s8 =	sadd.s32 $0xFFFFE003, lr  }
0x1b: {  	s9 =	sadd.s32 $0xFFFFFEF7, lr;
	s5 =	simm.s32 $0xFFFFFFFF;
	p2 =	slt.u32 s8, $0xFFFFF086  }
0x1c: {  	p1 =	slt.u32 s9, $0xF7A;
	s5 =	simm.s32 @!p2 $0x0  }
0x1d: {  	s5 =	simm.s32 @p1 $0x1;
	p0 =	seq.s32 s7, s2  }
0x1e: {  	s7 =	smul.u32 @!p0 $0xF7A, s2;
	p2 =	seq.s32 @!p0 s5, $0x0  }
0x1f: {  	s9 =	smul.u32 $0xF7A, s1;
	s8 =	simm.s32 @!p0 $0x1BF5;
	p2 =	por !p2, p0  }
0x20: {  	[sflag:s8] =	ssyncset.s32 @!p0 $0xFFFFF086;
	s6 =	sadd.s32 @!p0 s3, s7;
	s7 =	simm.s32 @!p0 $0x108  }
0x21: {  	s3 =	sadd.s32 s3, s9;
	s6 =	sadd.s32 @!p0 $0x88, s6;
	s7 =	simm.s32 @p2 $0x1082  }
0x22: {  	[simem:s7], [sflag:s8] =	dma.local @!p0 [hbm:s6], $0xF7A  }
0x23: {  	s9 =	sor.u32 $0xD0000000, s2;
	s6 =	simm.s32 $0x108;
	_ =	swait.ge @!p0 [sflag:s8], $0x0  }
0x24: {  	s3 =	sadd.s32 $0x88, s3;
	s6 =	simm.s32 @!p1 $0x1082;
	[sflag:s4] =	ssyncset.s32 $0xFFFFF086  }
0x25: {  	[simem:s6], [sflag:s4] =	dma.local [hbm:s3], $0xF7A  }
0x26: {  	[smem:$0x3F99] =	sst s1;
	(tag) =	ssettag s2;
	_ =	strace s9  }
0x27: {  	s1 =	sld [smem:$0x3FA9]  }
0x28: {  	s2 =	sld [smem:$0x3FAA]  }
0x29: {  	s4 =	sld [smem:$0x3FAC]  }
0x2a: {  	p0 =	seq.s32 s5, $0x0;
	s5 =	sld [smem:$0x3FAD]  }
0x2b: {  	s6 =	sld [smem:$0x3FAE]  }
0x2c: {  	s7 =	sld [smem:$0x3FAF]  }
0x2d: {  	s3 =	simm.s32 $0x108;
	s8 =	sld [smem:$0x3FB0]  }
0x2e: {  	s3 =	simm.s32 @!p0 $0x1082;
	s9 =	sld [smem:$0x3FB1]  }
0x2f: {  	lr =	sadd.s32 s0, s3;
	s0 =	sld [smem:$0x3FA8]  }
0x30: {  	s3 =	sld [smem:$0x3FAB]  }
0x31: {  	[smem:$0x3FB4] =	sst s10  }
0x32: {  	s10 =	sld [smem:$0x3FB2];
	_ =	sdelay $0x3  }
0x33: {  	p0 =	seq.s32 s10, $0x1;
	s10 =	sld [smem:$0x3FB4];
	_ =	sdelay $0x3  }
0x34: {  	[smem:$0x3FB4] =	sst s10  }
0x35: {  	s10 =	sld [smem:$0x3FB3];
	_ =	sdelay $0x3  }
0x36: {  	p1 =	seq.s32 s10, $0x1;
	s10 =	sld [smem:$0x3FB4];
	_ =	sdelay $0x3  }
0x37: {  	[smem:$0x3FB4] =	sst s10  }
0x38: {  	s10 =	sld [smem:$0x3FB5]  }
0x39: {  	_ = 	snop;
	(pc) =	sbr.ind lr, $3  }
0x3a: {  	_ = 	snop  }
0x3b: {  	_ = 	snop  }
0x3c: {  	p2 =	seq.s32 s10, $0x1;
	s10 =	sld [smem:$0x3FB4]  }
0x3d: {  	_ =	shalt  }
0x3e: {  	_ =	shalt  }
0x3f: {  	_ =	shalt  }
0x40: {  	_ =	shalt  }
0x41: {  	_ =	shalt  }
0x42: {  	_ =	shalt  }
0x43: {  	_ =	shalt  }
0x44: {  	_ =	shalt  }
0x45: {  	_ =	shalt  }
0x46: {  	_ =	shalt  }
0x47: {  	_ =	shalt  }
0x48: {  	_ =	shalt  }
0x49: {  	_ =	shalt  }
0x4a: {  	_ =	shalt  }
0x4b: {  	_ =	shalt  }
0x4c: {  	_ =	shalt  }
0x4d: {  	_ =	shalt  }
0x4e: {  	_ =	shalt  }
0x4f: {  	_ =	shalt  }
0x50: {  	_ =	shalt  }
0x51: {  	_ =	shalt  }
0x52: {  	_ =	shalt  }
0x53: {  	_ =	shalt  }
0x54: {  	_ =	shalt  }
0x55: {  	_ =	shalt  }
0x56: {  	_ =	shalt  }
0x57: {  	_ =	shalt  }
0x58: {  	_ =	shalt  }
0x59: {  	_ =	shalt  }
0x5a: {  	_ =	shalt  }
0x5b: {  	_ =	shalt  }
0x5c: {  	_ =	shalt  }
0x5d: {  	_ =	shalt  }
0x5e: {  	_ =	shalt  }
0x5f: {  	_ =	shalt  }
0x60: {  	_ =	shalt  }
0x61: {  	_ =	shalt  }
0x62: {  	_ =	shalt  }
0x63: {  	_ =	shalt  }
0x64: {  	_ =	shalt  }
0x65: {  	_ =	shalt  }
0x66: {  	_ =	shalt  }
0x67: {  	_ =	shalt  }
0x68: {  	_ =	shalt  }
0x69: {  	_ =	shalt  }
0x6a: {  	_ =	shalt  }
0x6b: {  	_ =	shalt  }
0x6c: {  	_ =	shalt  }
0x6d: {  	_ =	shalt  }
0x6e: {  	_ =	shalt  }
0x6f: {  	_ =	shalt  }
0x70: {  	_ =	shalt  }
0x71: {  	_ =	shalt  }
0x72: {  	_ =	shalt  }
0x73: {  	_ =	shalt  }
0x74: {  	_ =	shalt  }
0x75: {  	_ =	shalt  }
0x76: {  	_ =	shalt  }
0x77: {  	_ =	shalt  }
0x78: {  	_ =	shalt  }
0x79: {  	_ =	shalt  }
0x7a: {  	_ =	shalt  }
0x7b: {  	_ =	shalt  }
0x7c: {  	_ =	shalt  }
0x7d: {  	_ =	shalt  }
0x7e: {  	_ =	shalt  }
0x7f: {  	_ =	shalt  }
0x80: {  	_ =	shalt  }
0x81: {  	_ =	shalt  }
0x82: {  	_ =	shalt  }
0x83: {  	_ =	shalt  }
0x84: {  	_ =	shalt  }
0x85: {  	_ =	shalt  }
0x86: {  	_ =	shalt  }
0x87: {  	_ =	shalt  }
.Lfunc_end0:
.L_simem_size_0:
called_computation_lowered:
.L_overlay_start_0:
0x88: {  	s2 =	sld [smem:$0x3FD9]  }
0x89: {  	s3 =	sld [smem:$0x3FFE];
	_ =	sdelay $0x1  }
0x8a: {  	s1 =	srdreg.scid  }
0x8b: {  	s0 =	sand.u32 $0x1, s1  }
0x8c: {  	s17 =	sshll.u32 s0, $0xA;
	s2 =	sadd.s32 s3, s2  }
0x8d: {  	s2 =	sadd.s32 s2, s17  }
0x8e: {  	[smem:$0x3FC0] =	sst s2  }
0x8f: {  	_ = 	snop  }
0x90: {  	s2 =	sld [smem:$0x3FC9]  }
0x91: {  	s18 =	sld [smem:$0x3FC7]  }
0x92: {  	s4 =	sld [smem:$0x3FD0];
	(tm) =	ssettm $0x1  }
0x93: {  	s5 =	sld [smem:$0x3FFB];
	_ =	sdelay $0x3  }
0x94: {  	_ =	strace s5  }
0x95: {  	s5 =	sld [smem:$0x3FFC];
	_ =	sdelay $0x3  }
0x96: {  	_ =	strace s5  }
0x97: {  	s5 =	sld [smem:$0x3FFD];
	_ =	sdelay $0x3  }
0x98: {  	_ =	strace s5  }
0x99: {  	_ =	strace $0x8FFFFFFF  }
0x9a: {  	s19 =	sld [smem:$0x3FDB];
	_ =	sdelay $0x1  }
0x9b: {  	s6 =	simm.s32 $_scs_section_size  }
0x9c: {  	s7 =	simm.s32 $_size__tile_overlayer_lowered;
	s8 =	simm.s32 $_tile_overlayer_lowered  }
0x9d: {  	s22 =	simm.s32 $0x1BFF;
	s21 =	sshll.u32 s8, $0x1;
	s5 =	sadd.s32 s6, s19  }
0x9e: {  	s9 =	simm.s32 $0x0;
	s20 =	sshll.u32 s7, $0x1;
	s7 =	sadd.s32 s21, s5  }
0x9f: {  	[timem:s9], [sflag:s22] =	dma.local [hbm:s7], s20  }
0xa0: {  	_ =	swait.ge [sflag:s22], s20  }
0xa1: {  	s6 =	ssub.s32 $0x0, s20;
	[sflag:s22] =	ssyncset.done $0x0  }
0xa2: {  	[sflag:s22] =	ssyncadd.s32 s6;
	_ =	sdelay $0x1  }
0xa3: {  	s23 =	simm.s32 $0x1B8B  }
0xa4: {  	_ =	swait.ge [sflag:s23], $0x1  }
0xa5: {  	[sflag:s23] =	ssyncset.done $0x0  }
0xa6: {  	s25 =	simm.s32 $0x1B8E;
	s24 =	sld [smem:$0x3FFE];
	[sflag:s23] =	ssyncadd.s32 $0xFFFFFFFF  }
0xa7: {  	s26 =	simm.s32 $execute0_lowered;
	[smem:$0x3FD2] =	sst s25  }
0xa8: {  	s7 =	sshll.u32 s26, $0x1;
	_ =	strace $0x80000046;
	[dreg:$0x1] =	wrdreg $0xFFFFFFFF  }
0xa9: {  	s28 =	simm.s32 $_size_execute0_lowered;
	s5 =	sadd.s32 s5, s7;
	[dreg:$0x0] =	wrdreg $0x0  }
0xaa: {  	s7 =	sshll.u32 s28, $0x1;
	[dreg:$0x2] =	wrdreg s5  }
0xab: {  	[dreg:$0x3] =	wrdreg s7  }
0xac: {  	[dreg:$0x4] =	wrdreg $0xC0  }
0xad: {  	_ =	task [dreg:s9], $0x5FFFF  }
0xae: {  	[dreg:$0x1] =	wrdreg $0xFFFFFFFF  }
0xaf: {  	[dreg:$0x0] =	wrdreg $0x60  }
0xb0: {  	[dreg:$0x2] =	wrdreg s2  }
0xb1: {  	[dreg:$0x3] =	wrdreg s24  }
0xb2: {  	[dreg:$0x4] =	wrdreg s18  }
0xb3: {  	[dreg:$0x5] =	wrdreg s4  }
0xb4: {  	[dreg:$0x6] =	wrdreg $0xE5800  }
0xb5: {  	[dreg:$0x7] =	wrdreg $0x129800  }
0xb6: {  	[dreg:$0x8] =	wrdreg $0x132000  }
0xb7: {  	[dreg:$0x9] =	wrdreg $0x9  }
0xb8: {  	_ =	task.clear_ibuf [dreg:s9], $0xAFFFF;
	_ =	strace $0x90000046  }
0xb9: {  	s29 =	simm.s32 $0x9;
	_ =	strace $0x80000048  }
0xba: {  	_ =	swait.ge [sflag:s29], $0x1  }
0xbb: {  	[sflag:s29] =	ssyncadd.s32 $0xFFFFFFFF  }
0xbc: {  	_ =	strace $0x90000048  }
0xbd: {  	_ =	sfence  }
0xbe: {  	s30 =	sld [smem:$0x0];
	_ =	sdelay $0x2  }
0xbf: {  	s31 =	sshll.u32 s1, $0xD;
	s1 =	sshrl.u32 s1, $0x2  }
0xc0: {  	s3 =	sand.u32 $0x4000, s31;
	s1 =	sadd.s32 s1, s30  }
0xc1: {  	s0 =	sor.u32 s3, s0;
	s1 =	sshll.u32 s1, $0x11  }
0xc2: {  	s0 =	sor.u32 s1, s0  }
0xc3: {  	s0 =	sadd.s32 $0x8F2B, s0  }
0xc4: {  	[sflag:s0] =	ssyncadd.remote.s32 $0x1  }
0xc5: {  	_ =	sfence.sel $0xFFFF  }
0xc6: {  	[dreg:$0x0] =	wrdreg $0xFFFFFFFF;
	(pc) =	sbr.abs _section_cstart, $3  }
0xc7: {  	[dreg:$0x1] =	wrdreg $0xFFFFFFFF  }
0xc8: {  	_ =	task.clear_ibuf [dreg:s9], $0x2FFFF;
	_ =	strace $0x9FFFFFFF  }
0xc9: {  	(tm) =	ssettm $0x7FFFFFFF  }
tec
execute0_lowered:
.L_overlay_start_1:
0x0: {  	(tag) =	ssettag $0x1  }
0x1: {  	s0 =	rddreg [dreg:$0x0]  }
0x2: {  	s1 =	rddreg [dreg:$0x1]  }
0x3: {  	s2 =	rddreg [dreg:$0x3]  }
0x4: {  	s3 =	rddreg [dreg:$0x4]  }
0x5: {  	s4 =	rddreg [dreg:$0x5]  }
0x6: {  	s15 =	rddreg [dreg:$0x6];
	s6 =	simm.s32 $0x0  }
0x7: {  	s5 =	srdreg.scid;
	s16 =	stileid.u32;
	s28 =	simm.s32 $0x80  }
0x8: {  	s29 =	simm.s32 $0x5300;
	s30 =	simm.s32 $0x5280;
	s31 =	simm.s32 $0xDC40  }
0x9: {  	[smem:$0x7FF] =	sst s6;
	s5 =	sand.u32 $0x1, s5;
	s8 =	sshll.u32 s16, $0x1  }
0xa: {  	s7 =	sadd.s32 $0x1600, s1;
	s9 =	sadd.s32 $0x15000, s1;
	s11 =	smul.u32 $0x11000, s16  }
0xb: {  	s10 =	sshll.u32 s16, $0xB;
	s13 =	smul.u32 $0x2200, s16;
	s14 =	sshll.u32 s16, $0x6  }
0xc: {  	_ =	strace $0x80000047;
	[dreg:$0x8] =	wrdreg s9;
	s8 =	sor.u32 s5, s8  }
0xd: {  	s20 =	ssub.s32 $0x2, s5;
	s14 =	sor.u32 $0x1C01, s14;
	s22 =	sshll.u32 s5, $0xF  }
0xe: {  	s5 =	sshll.u32 s5, $0xB;
	s19 =	sshll.u32 s8, $0xA;
	s21 =	sshrl.u32 s20, $0x1  }
0xf: {  	s11 =	sshrl.u32 s11, $0x2;
	s9 =	smul.u32 $0x2710, s8;
	s13 =	sshrl.u32 s13, $0x2  }
0x10: {  	s8 =	sshll.u32 s8, $0x6;
	[dreg:$0x9] =	wrdreg s14;
	s14 =	simm.s32 $0x0  }
0x11: {  	s12 =	sadd.s32 s19, s1;
	s1 =	sadd.s32 s10, s1;
	s13 =	sadd.s32 s13, s4  }
0x12: {  	s10 =	ssub.s32 s20, s21;
	s8 =	sadd.s32 $0x2780, s8;
	[dreg:$0xa] =	wrdreg s13  }
0x13: {  	s11 =	sadd.s32 s11, s3;
	s21 =	simm.s32 $0xDC30;
	[dreg:$0xb] =	wrdreg s8  }
0x14: {  	s13 =	sshll.u32 s16, $0x7;
	s12 =	sadd.s32 $0x25A00, s12;
	s1 =	sadd.s32 s22, s1  }
0x15: {  	s25 =	smax.u32 s10, $0x1;
	s26 =	sshrl.u32 s11, $0x3;
	s22 =	simm.s32 $0x2  }
0x16: {  	s8 =	simm.s32 $0xDC50;
	s10 =	simm.s32 $0xDC60;
	s11 =	simm.s32 $0xDC70  }
0x17: {  	[dreg:$0xc] =	wrdreg s12;
	s5 =	sor.u32 s13, s5;
	s23 =	sadd.s32 s13, s15  }
0x18: {  	s1 =	sadd.s32 $0x15A00, s1;
	[dreg:$0x10] =	wrdreg s25;
	s19 =	sadd.s32 s13, s4  }
0x19: {  	[dreg:$0x11] =	wrdreg s26;
	s25 =	simm.s32 $0x3780;
	s26 =	simm.s32 $0xD300  }
0x1a: {  	s4 =	simm.s32 $0xDC20;
	s12 =	simm.s32 $0xDC80;
	[dreg:$0xd] =	wrdreg s23  }
0x1b: {  	v0 =	vimm.f32 $0.0e+00;
	[dreg:$0xe] =	wrdreg s1;
	s24 =	sshrl.u32 s5, $0x3;
	s23 =	simm.s32 $0x1  }
0x1c: {  	v1 =	vimm.s32 $0xFFFFFFFF;
	v2 =	vlaneseq.u32;
	v3 =	vimm.f32 $1.000000000e+00;
	s5 =	simm.s32 $0xDC00;
	s1 =	sadd.s32 s2, s24;
	s24 =	simm.s32 $0x2F80  }
0x1d: {  	v4 =	vimm.s32 $0x0;
	v5 =	vmul.u32 $0x8, v2;
	v6 =	vor.u32 $0x800, v2;
	s2 =	simm.s32 $0xDC10;
	[dreg:$0xf] =	wrdreg s1;
	s1 =	simm.s32 $0xDB80  }
.LBB2_1:
0x1e: {  	s15 =	rddreg [dreg:$0x8]  }
0x1f: {  	s16 =	rddreg [dreg:$0x9]  }
0x20: {  	s17 =	rddreg [dreg:$0x11]  }
0x21: {  	[spmem:s17], [sflag:s16] =	dma.local [hbm:s15], $0x880  }
0x22: {  	s20 =	simm.s32 $0x2780;
	s15 =	rddreg [dreg:$0x2]  }
0x23: {  	[tilespmem:s20], [sflag:$0x2] =	stream.linear.gather [hbm4b:s15+s6], $0x800, $0x38;
	[tilespmem:$0x13280] =	vst v63  }
0x24: {  	_ =	swait.ge [sflag:s22], $0x800  }
0x25: {  	[sflag:s22] =	ssyncset.done $0x0  }
0x26: {  	s16 =	simm.s32 $0x0;
	s15 =	simm.s32 $0x40;
	[sflag:s22] =	ssyncadd.s32 $0xFFFFF800  }
.LBB2_2:
0x27: {  	p0 =	sne.s32 s15, $0x21C0;
	[tilespmem:s16+$0xD300] =	vst v0;
	s16 =	smov.u32 s15;
	s15 =	sadd.s32 $0x40, s15  }
.Ltmp0:
0x28: {  	(pc) =	sbr.rel @p0 .LBB2_2-.Ltmp0, $2  }
0x29: {  	_ =	sdelay $0x2  }
0x2a: {  	s16 =	sshra.s32 s16, $0x2  }
0x2b: {  	[tilespmem:s16+$0xD300] =	vst v0;
	s15 =	simm.s32 $0x0;
	s16 =	simm.s32 $0x0  }
.LBB2_4:
0x2c: {  	p0 =	sne.s32 s16, $0x9C00  }
.Ltmp1:
0x2d: {  	_ = 	snop;
	(pc) =	sbr.rel @p0 .LBB2_4-.Ltmp1, $3  }
0x2e: {  	_ =	sdelay $0x1  }
0x2f: {  	s17 =	sshra.s32 s16, $0x2  }
0x30: {  	s16 =	sadd.s32 $0x40, s16;
	[tilespmem:s17+$0x0] =	vst v1  }
0x31: {  	s16 =	simm.s32 $0x2780  }
0x32: {  	s17 =	simm.s32 $0x10;
	v7 =	vld [tilespmem:s16+$0x0]  }
.LBB2_6:
0x33: {  	p0 =	sne.s32 s17, $0x7F0;
	_ =	sdelay $0x3  }
.Ltmp2:
0x34: {  	(pc) =	sbr.rel @p0 .LBB2_6-.Ltmp2, $4  }
0x35: {  	_ = 	snop  }
0x36: {  	v8 =	vor.u32 s15, v2;
	s15 =	smov.u32 s17  }
0x37: {  	s16 =	sadd.s32 $0x10, s16;
	[tilespmem:v7+s6+$0x0] =	vst.idx.msk $0xffff, v8  }
0x38: {  	s17 =	sadd.s32 $0x10, s17;
	v7 =	vld [tilespmem:s16+$0x0]  }
0x39: {  	_ =	sdelay $0x6  }
0x3a: {  	v8 =	vor.u32 s15, v2  }
0x3b: {  	[tilespmem:v7+s6+$0x0] =	vst.idx.msk $0xffff, v8  }
.Ltmp3:
0x3c: {  	_ =	swait.ge [sflag:s23], $0x880;
	(pc) =	sbr.rel .LBB2_8-.Ltmp3, $4  }
0x3d: {  	[sflag:s23] =	ssyncset.done $0x0  }
0x3e: {  	[sflag:s23] =	ssyncadd.s32 $0xFFFFF780  }
0x3f: {  	[bflag:$0x0] =	sbarrier.arrive $0xFFFF  }
0x40: {  	s15 =	simm.s32 $0x0;
	s16 =	simm.s32 $0x0  }
.LBB2_13:
0x41: {  	[sflag:s22] =	ssyncadd.s32 $0xFFFFC000  }
.LBB2_14:
0x42: {  	s16 =	sadd.s32 $0x1, s16  }
0x43: {  	p0 =	sne.s32 s16, $0x5  }
.Ltmp4:
0x44: {  	_ = 	snop;
	(pc) =	sbr.rel @!p0 .LBB2_15-.Ltmp4, $1  }
0x45: {  	_ =	sdelay $0x3  }
.LBB2_8:
0x46: {  	s17 =	smul.u32 $0x7D0, s16;
	_ =	sdelay $0x1  }
0x47: {  	s17 =	sadd.s32 s9, s17  }
0x48: {  	s17 =	sshrl.u32 s17, $0x3  }
0x49: {  	s17 =	sadd.s32 s7, s17  }
0x4a: {  	[tilespmem:s24], [sflag:$0x2] =	stream.linear.gather [hbm4b:s17+s15], $0x7D0, $0x38;
	[tilespmem:$0x13280] =	vst v63  }
0x4b: {  	_ =	swait.ge [sflag:s22], $0x7D0  }
0x4c: {  	[sflag:s22] =	ssyncset.done $0x0  }
0x4d: {  	s17 =	sadd.s32 $0x9C40, s17;
	[sflag:s22] =	ssyncadd.s32 $0xFFFFF830  }
0x4e: {  	[tilespmem:s25], [sflag:$0x2] =	stream.linear.gather [hbm4b:s17+s15], $0x7D0, $0x38;
	[tilespmem:$0x13280] =	vst v63  }
0x4f: {  	_ =	swait.ge [sflag:s22], $0x7D0  }
0x50: {  	[sflag:s22] =	ssyncset.done $0x0  }
0x51: {  	s20 =	simm.s32 $0x0;
	[sflag:s22] =	ssyncadd.s32 $0xFFFFF830  }
0x52: {  	v7 =	vld [tilespmem:s20+$0x3780];
	_ =	sdelay $0x7  }
0x53: {  	v7 =	vld.idx.msk [tilespmem:v7+s6+$0x0], $0xffff;
	_ =	sdelay $0x4  }
0x54: {  	vm0 =	vgt.s32 v7, $0xFFFFFFFF  }
0x55: {  	v8 =	vnsel vm0, $0x800, v7;
	v9 =	vsel vm0, $0x1, v4  }
0x56: {  	v10 =	vld [tilespmem:s20+$0x2F80];
	(xrf0) =	vadd.scan.msk.s32 $0xffff, v9;
	_ =	sdelay $0x3  }
0x57: {  	[tilespmem:v8+s26+$0x0] =	vst.idx.add.f32.msk vm0, v3  }
0x58: {  	[tilespmem:s15+$0x3F80] =	vst.msk vm0, v10  }
0x59: {  	s18 =	simm.s32 $0x80;
	s17 =	simm.s32 $0x0;
	s20 =	simm.s32 $0x10;
	[tilespmem:s15+$0x4900] =	vst.msk vm0, v7;
	v7, _, _ =	vpop (xrf0)  }
.LBB2_9:
0x5a: {  	p0 =	sne.s32 s18, $0x1F00;
	v8 =	vld [tilespmem:s20+$0x3780];
	(v2sf) =	vpush v7, $0xF  }
0x5b: {  	v7 =	vld [tilespmem:s20+$0x2F80];
	_ =	sdelay $0x6  }
0x5c: {  	v8 =	vld.idx.msk [tilespmem:v8+s6+$0x0], $0xffff;
	_ =	sdelay $0x5  }
0x5d: {  	vm0 =	vgt.s32 v8, $0xFFFFFFFF  }
0x5e: {  	v9 =	vnsel vm0, $0x800, v8;
	v10 =	vsel vm0, $0x1, v4;
	s20 =	spop (v2sf)  }
0x5f: {  	(xrf0) =	vadd.scan.msk.s32 $0xffff, v10;
	s17 =	sadd.s32 s17, s20;
	_ =	sdelay $0x1  }
.Ltmp5:
0x60: {  	(pc) =	sbr.rel @p0 .LBB2_9-.Ltmp5, $4  }
0x61: {  	_ = 	snop  }
0x62: {  	[tilespmem:v9+s26+$0x0] =	vst.idx.add.f32.msk vm0, v3  }
0x63: {  	[tilespmem:s17+$0x3F80] =	vst.msk vm0, v7  }
0x64: {  	s20 =	sshra.s32 s18, $0x2;
	s18 =	sadd.s32 $0x40, s18;
	[tilespmem:s17+$0x4900] =	vst.msk vm0, v8;
	v7, _, _ =	vpop (xrf0)  }
0x65: {  	v8 =	vld [tilespmem:s20+$0x3780];
	_ =	sdelay $0x7  }
0x66: {  	v8 =	vld.idx.msk [tilespmem:v8+s6+$0x0], $0xffff;
	_ =	sdelay $0x4  }
0x67: {  	vm0 =	vgt.s32 v8, $0xFFFFFFFF  }
0x68: {  	v9 =	vsel vm0, $0x1, v4  }
0x69: {  	(xrf0) =	vadd.scan.msk.s32 $0xffff, v9;
	_ =	sdelay $0x4  }
0x6a: {  	(v2sf) =	vpush v7, $0xF  }
0x6b: {  	v7, _, _ =	vpop (xrf0)  }
0x6c: {  	(v2sf) =	vpush v7, $0xF;
	_ =	sdelay $0x8  }
0x6d: {  	v7 =	vnsel vm0, $0x800, v8  }
0x6e: {  	v63 =	vld [tilespmem:s20+$0x2F80];
	_ =	sdelay $0x2  }
0x6f: {  	s18 =	spop (v2sf)  }
0x70: {  	s17 =	sadd.s32 s17, s18;
	[tilespmem:v7+s26+$0x0] =	vst.idx.add.f32.msk vm0, v3  }
0x71: {  	[tilespmem:s17+$0x3F80] =	vst.msk vm0, v63;
	s20 =	spop (v2sf)  }
0x72: {  	[tilespmem:s17+$0x4900] =	vst.msk vm0, v8;
	s17 =	sadd.s32 s17, s20  }
0x73: {  	[tilespmem:s17+$0x3F80] =	vst v5  }
0x74: {  	[tilespmem:s17+$0x4900] =	vst v6  }
0x75: {  	[tilespmem:s17+$0x3F90] =	vst v5  }
0x76: {  	[tilespmem:s17+$0x4910] =	vst v6;
	s18 =	sadd.s32 $0x7F, s17  }
0x77: {  	[tilespmem:s17+$0x3FA0] =	vst v5;
	s20 =	sand.u32 $0x7F, s18  }
0x78: {  	[tilespmem:s17+$0x4920] =	vst v6;
	p1 =	slt.s32 s18, $0x1;
	p0 =	sne.s32 s20, $0x0;
	s20 =	sshra.s32 s18, $0x1F  }
0x79: {  	[tilespmem:s17+$0x3FB0] =	vst v5;
	s20 =	sshrl.u32 s20, $0x19;
	p0 =	por !p1, !p0  }
0x7a: {  	[tilespmem:s17+$0x4930] =	vst v6;
	s18 =	sadd.s32 s20, s18;
	p0 =	por !p0, !p0;
	s20 =	simm.s32 $0x1  }
0x7b: {  	[tilespmem:s17+$0x3FC0] =	vst v5;
	s18 =	sshra.s32 s18, $0x7;
	s20 =	simm.s32 @!p0 $0x0  }
0x7c: {  	[tilespmem:s17+$0x4940] =	vst v6;
	s20 =	ssub.s32 s18, s20  }
0x7d: {  	[tilespmem:s17+$0x3FD0] =	vst v5;
	p0 =	slt.s32 s20, $0x1  }
.Ltmp6:
0x7e: {  	[tilespmem:s17+$0x4950] =	vst v6;
	(pc) =	sbr.rel @p0 .LBB2_14-.Ltmp6, $4  }
0x7f: {  	[tilespmem:s17+$0x3FE0] =	vst v5  }
0x80: {  	[tilespmem:s17+$0x4960] =	vst v6  }
0x81: {  	[tilespmem:s17+$0x3FF0] =	vst v5  }
0x82: {  	[tilespmem:s17+$0x4970] =	vst v6  }
0x83: {  	s17 =	simm.s32 $0x4940  }
0x84: {  	v7 =	vld [tilespmem:s17+$0xFFFFFFC0];
	_ =	sdelay $0x4  }
0x85: {  	[tilespmem:$0x5280] =	vst v7  }
0x86: {  	v7 =	vld [tilespmem:s17+$0xFFFFFFD0];
	_ =	sdelay $0x4  }
0x87: {  	[tilespmem:$0x5290] =	vst v7  }
0x88: {  	v7 =	vld [tilespmem:s17+$0xFFFFFFE0];
	_ =	sdelay $0x4  }
0x89: {  	[tilespmem:$0x52A0] =	vst v7  }
0x8a: {  	v7 =	vld [tilespmem:s17+$0xFFFFFFF0];
	_ =	sdelay $0x4  }
0x8b: {  	[tilespmem:$0x52B0] =	vst v7  }
0x8c: {  	v7 =	vld [tilespmem:s17+$0x0];
	_ =	sdelay $0x4  }
0x8d: {  	[tilespmem:$0x52C0] =	vst v7  }
0x8e: {  	v7 =	vld [tilespmem:s17+$0x10];
	_ =	sdelay $0x4  }
0x8f: {  	[tilespmem:$0x52D0] =	vst v7  }
0x90: {  	v7 =	vld [tilespmem:s17+$0x20];
	_ =	sdelay $0x4  }
0x91: {  	[tilespmem:$0x52E0] =	vst v7  }
0x92: {  	v7 =	vld [tilespmem:s17+$0x30];
	_ =	sdelay $0x4  }
0x93: {  	s18 =	simm.s32 $0x3F80;
	[tilespmem:$0x52F0] =	vst v7  }
0x94: {  	[tilespmem:s29], [sflag:$0x2] =	stream.indirect.gather [hbm4b:s0+s28], $0x80, s18, s28, $0xb8;
	[tilespmem:$0x13280] =	vst v63  }
0x95: {  	p0 =	sne.s32 s20, $0x1;
	_ =	swait.ge [sflag:s22], $0x4000  }
.Ltmp7:
0x96: {  	[sflag:s22] =	ssyncset.done $0x0;
	(pc) =	sbr.rel @!p0 .LBB2_13-.Ltmp7, $4  }
0x97: {  	[sflag:s22] =	ssyncadd.s32 $0xFFFFC000  }
0x98: {  	[spmem:s3] =	stream.indirect.scatter.add.f32 [tilespmem:s29], [sflag:$0x2], $0x80, s30, s28, $0xb8;
	[tilespmem:$0x13280] =	vst v63  }
0x99: {  	_ =	swait.ge [sflag:s22], $0x4000  }
0x9a: {  	s20 =	sadd.s32 $0xFFFFFFFF, s20;
	[sflag:s22] =	ssyncset.done $0x0  }
.LBB2_12:
0x9b: {  	[sflag:s22] =	ssyncadd.s32 $0xFFFFC000;
	s18 =	sadd.s32 $0x80, s18;
	s17 =	sadd.s32 $0x80, s17  }
0x9c: {  	p0 =	sne.s32 s20, $0x1;
	s20 =	sadd.s32 $0xFFFFFFFF, s20;
	v7 =	vld [tilespmem:s17+$0xFFFFFFC0];
	_ =	sdelay $0x4  }
0x9d: {  	[tilespmem:$0x5280] =	vst v7  }
0x9e: {  	v7 =	vld [tilespmem:s17+$0xFFFFFFD0];
	_ =	sdelay $0x4  }
0x9f: {  	[tilespmem:$0x5290] =	vst v7  }
0xa0: {  	v7 =	vld [tilespmem:s17+$0xFFFFFFE0];
	_ =	sdelay $0x4  }
0xa1: {  	[tilespmem:$0x52A0] =	vst v7  }
0xa2: {  	v7 =	vld [tilespmem:s17+$0xFFFFFFF0];
	_ =	sdelay $0x4  }
0xa3: {  	[tilespmem:$0x52B0] =	vst v7  }
0xa4: {  	v7 =	vld [tilespmem:s17+$0x0];
	_ =	sdelay $0x4  }
0xa5: {  	[tilespmem:$0x52C0] =	vst v7  }
0xa6: {  	v7 =	vld [tilespmem:s17+$0x10];
	_ =	sdelay $0x4  }
0xa7: {  	[tilespmem:$0x52D0] =	vst v7  }
0xa8: {  	v7 =	vld [tilespmem:s17+$0x20];
	_ =	sdelay $0x4  }
0xa9: {  	[tilespmem:$0x52E0] =	vst v7  }
0xaa: {  	v7 =	vld [tilespmem:s17+$0x30];
	_ =	sdelay $0x4  }
0xab: {  	[tilespmem:$0x52F0] =	vst v7  }
0xac: {  	[tilespmem:s29], [sflag:$0x2] =	stream.indirect.gather [hbm4b:s0+s28], $0x80, s18, s28, $0xb8;
	[tilespmem:$0x13280] =	vst v63  }
0xad: {  	_ =	swait.ge [sflag:s22], $0x4000  }
.Ltmp8:
0xae: {  	[sflag:s22] =	ssyncset.done $0x0;
	(pc) =	sbr.rel @p0 .LBB2_12-.Ltmp8, $4  }
0xaf: {  	[sflag:s22] =	ssyncadd.s32 $0xFFFFC000  }
0xb0: {  	[spmem:s3] =	stream.indirect.scatter.add.f32 [tilespmem:s29], [sflag:$0x2], $0x80, s30, s28, $0xb8;
	[tilespmem:$0x13280] =	vst v63  }
0xb1: {  	_ =	swait.ge [sflag:s22], $0x4000  }
0xb2: {  	[sflag:s22] =	ssyncset.done $0x0  }
.Ltmp9:
0xb3: {  	_ = 	snop;
	(pc) =	sbr.rel .LBB2_13-.Ltmp9, $1  }
0xb4: {  	_ =	sdelay $0x3  }
.LBB2_15:
0xb5: {  	s15 =	rddreg [dreg:$0xa]  }
0xb6: {  	[spmem:s15] =	stream.linear.scatter [tilespmem:s26], [sflag:$0x2], $0x880, $0x38;
	[tilespmem:$0x13280] =	vst v63  }
0xb7: {  	_ =	swait.ge [sflag:s22], $0x880  }
0xb8: {  	[sflag:s22] =	ssyncset.done $0x0  }
0xb9: {  	s16 =	simm.s32 $0x40;
	s20 =	rddreg [dreg:$0xb];
	[sflag:s22] =	ssyncadd.s32 $0xFFFFF780  }
0xba: {  	[tilespmem:s29], [sflag:$0x2] =	stream.indirect.gather [hbm4b:s0+s16], $0x80, s20, s16, $0xb8;
	[tilespmem:$0x13280] =	vst v63  }
0xbb: {  	_ =	swait.ge [sflag:s22], $0x2000  }
0xbc: {  	[sflag:s22] =	ssyncset.done $0x0  }
0xbd: {  	s17 =	simm.s32 $0x0;
	s18 =	rddreg [dreg:$0xc];
	[sflag:s22] =	ssyncadd.s32 $0xFFFFE000  }
0xbe: {  	[hbm4b:s18+s17] =	stream.linear.scatter [tilespmem:s29], [sflag:$0x2], $0x2000, $0x38;
	[tilespmem:$0x13280] =	vst v63  }
0xbf: {  	_ =	swait.ge [sflag:s22], $0x2000  }
0xc0: {  	[sflag:s22] =	ssyncset.done $0x0  }
0xc1: {  	[sflag:s22] =	ssyncadd.s32 $0xFFFFE000  }
0xc2: {  	[bflag:$0x0] =	sbarrier.arrive $0xFFFF  }
0xc3: {  	[tilespmem:$0xDC00] =	vst v0  }
0xc4: {  	[tilespmem:$0xDC10] =	vst v0  }
0xc5: {  	[tilespmem:$0xDC20] =	vst v0  }
0xc6: {  	[tilespmem:$0xDC30] =	vst v0  }
0xc7: {  	[tilespmem:$0xDC40] =	vst v0  }
0xc8: {  	[tilespmem:$0xDC50] =	vst v0  }
0xc9: {  	[tilespmem:$0xDC60] =	vst v0  }
0xca: {  	s20 =	sadd.s32 $0x0, s19;
	[tilespmem:$0xDC70] =	vst v0  }
0xcb: {  	[tilespmem:s1], [sflag:$0x2] =	stream.linear.gather [spmem:s20], $0x80, $0x38;
	[tilespmem:$0x13280] =	vst v63  }
0xcc: {  	_ =	swait.ge [sflag:s22], $0x80  }
0xcd: {  	[sflag:s22] =	ssyncset.done $0x0  }
0xce: {  	[sflag:s22] =	ssyncadd.s32 $0xFFFFFF80  }
0xcf: {  	v7 =	vld [tilespmem:$0xDB80];
	_ =	sdelay $0x4  }
0xd0: {  	[tilespmem:s5+$0x0] =	vst.add.f32.msk $0xffff, v7  }
0xd1: {  	v7 =	vld [tilespmem:$0xDB90];
	_ =	sdelay $0x4  }
0xd2: {  	[tilespmem:s2+$0x0] =	vst.add.f32.msk $0xffff, v7  }
0xd3: {  	v7 =	vld [tilespmem:$0xDBA0];
	_ =	sdelay $0x4  }
0xd4: {  	[tilespmem:s4+$0x0] =	vst.add.f32.msk $0xffff, v7  }
0xd5: {  	v7 =	vld [tilespmem:$0xDBB0];
	_ =	sdelay $0x4  }
0xd6: {  	[tilespmem:s21+$0x0] =	vst.add.f32.msk $0xffff, v7  }
0xd7: {  	v7 =	vld [tilespmem:$0xDBC0];
	_ =	sdelay $0x4  }
0xd8: {  	[tilespmem:s31+$0x0] =	vst.add.f32.msk $0xffff, v7  }
0xd9: {  	v7 =	vld [tilespmem:$0xDBD0];
	_ =	sdelay $0x4  }
0xda: {  	[tilespmem:s8+$0x0] =	vst.add.f32.msk $0xffff, v7  }
0xdb: {  	v7 =	vld [tilespmem:$0xDBE0];
	_ =	sdelay $0x4  }
0xdc: {  	[tilespmem:s10+$0x0] =	vst.add.f32.msk $0xffff, v7  }
0xdd: {  	v7 =	vld [tilespmem:$0xDBF0];
	_ =	sdelay $0x2  }
0xde: {  	s15 =	simm.s32 $0x4400;
	s16 =	simm.s32 $0x880  }
.LBB2_16:
0xdf: {  	p0 =	sne.s32 s15, $0x1FE00  }
0xe0: {  	s17 =	sadd.s32 s16, s19;
	[tilespmem:s11+$0x0] =	vst.add.f32.msk $0xffff, v7;
	s16 =	smov.u32 s15;
	s15 =	sadd.s32 $0x2200, s15  }
0xe1: {  	[tilespmem:s1], [sflag:$0x2] =	stream.linear.gather [spmem:s17], $0x80, $0x38;
	[tilespmem:$0x13280] =	vst v63  }
0xe2: {  	_ =	swait.ge [sflag:s22], $0x80  }
0xe3: {  	[sflag:s22] =	ssyncset.done $0x0  }
0xe4: {  	[sflag:s22] =	ssyncadd.s32 $0xFFFFFF80  }
0xe5: {  	v7 =	vld [tilespmem:$0xDB80];
	_ =	sdelay $0x4  }
0xe6: {  	[tilespmem:s5+$0x0] =	vst.add.f32.msk $0xffff, v7  }
0xe7: {  	v7 =	vld [tilespmem:$0xDB90];
	_ =	sdelay $0x4  }
0xe8: {  	[tilespmem:s2+$0x0] =	vst.add.f32.msk $0xffff, v7  }
0xe9: {  	v7 =	vld [tilespmem:$0xDBA0];
	_ =	sdelay $0x4  }
0xea: {  	[tilespmem:s4+$0x0] =	vst.add.f32.msk $0xffff, v7  }
0xeb: {  	v7 =	vld [tilespmem:$0xDBB0];
	_ =	sdelay $0x4  }
0xec: {  	[tilespmem:s21+$0x0] =	vst.add.f32.msk $0xffff, v7  }
0xed: {  	v7 =	vld [tilespmem:$0xDBC0];
	_ =	sdelay $0x4  }
0xee: {  	[tilespmem:s31+$0x0] =	vst.add.f32.msk $0xffff, v7  }
0xef: {  	v7 =	vld [tilespmem:$0xDBD0];
	_ =	sdelay $0x4  }
0xf0: {  	[tilespmem:s8+$0x0] =	vst.add.f32.msk $0xffff, v7  }
0xf1: {  	v7 =	vld [tilespmem:$0xDBE0];
	_ =	sdelay $0x4  }
0xf2: {  	[tilespmem:s10+$0x0] =	vst.add.f32.msk $0xffff, v7  }
.Ltmp10:
0xf3: {  	v7 =	vld [tilespmem:$0xDBF0];
	(pc) =	sbr.rel @p0 .LBB2_16-.Ltmp10, $2  }
0xf4: {  	_ =	sdelay $0x2  }
0xf5: {  	s16 =	sshra.s32 s16, $0x2  }
0xf6: {  	s15 =	sadd.s32 s16, s19;
	[tilespmem:s11+$0x0] =	vst.add.f32.msk $0xffff, v7  }
0xf7: {  	[tilespmem:s1], [sflag:$0x2] =	stream.linear.gather [spmem:s15], $0x80, $0x38;
	[tilespmem:$0x13280] =	vst v63  }
0xf8: {  	_ =	swait.ge [sflag:s22], $0x80  }
0xf9: {  	[sflag:s22] =	ssyncset.done $0x0  }
0xfa: {  	[sflag:s22] =	ssyncadd.s32 $0xFFFFFF80  }
0xfb: {  	v7 =	vld [tilespmem:$0xDB80];
	_ =	sdelay $0x4  }
0xfc: {  	[tilespmem:s5+$0x0] =	vst.add.f32.msk $0xffff, v7  }
0xfd: {  	v7 =	vld [tilespmem:$0xDB90];
	_ =	sdelay $0x4  }
0xfe: {  	[tilespmem:s2+$0x0] =	vst.add.f32.msk $0xffff, v7  }
0xff: {  	v7 =	vld [tilespmem:$0xDBA0];
	_ =	sdelay $0x4  }
0x100: {  	[tilespmem:s4+$0x0] =	vst.add.f32.msk $0xffff, v7  }
0x101: {  	v7 =	vld [tilespmem:$0xDBB0];
	_ =	sdelay $0x4  }
0x102: {  	[tilespmem:s21+$0x0] =	vst.add.f32.msk $0xffff, v7  }
0x103: {  	v7 =	vld [tilespmem:$0xDBC0];
	_ =	sdelay $0x4  }
0x104: {  	[tilespmem:s31+$0x0] =	vst.add.f32.msk $0xffff, v7  }
0x105: {  	v7 =	vld [tilespmem:$0xDBD0];
	_ =	sdelay $0x4  }
0x106: {  	[tilespmem:s8+$0x0] =	vst.add.f32.msk $0xffff, v7  }
0x107: {  	v7 =	vld [tilespmem:$0xDBE0];
	_ =	sdelay $0x4  }
0x108: {  	[tilespmem:s10+$0x0] =	vst.add.f32.msk $0xffff, v7  }
0x109: {  	v7 =	vld [tilespmem:$0xDBF0];
	_ =	sdelay $0x4  }
0x10a: {  	s17 =	rddreg [dreg:$0xd];
	[tilespmem:s11+$0x0] =	vst.add.f32.msk $0xffff, v7  }
0x10b: {  	[spmem:s17] =	stream.linear.scatter [tilespmem:s5], [sflag:$0x2], $0x80, $0x38;
	[tilespmem:$0x13280] =	vst v63  }
0x10c: {  	_ =	swait.ge [sflag:s22], $0x80  }
0x10d: {  	[sflag:s22] =	ssyncset.done $0x0  }
0x10e: {  	[sflag:s22] =	ssyncadd.s32 $0xFFFFFF80  }
0x10f: {  	[bflag:$0x0] =	sbarrier.arrive $0xFFFF  }
0x110: {  	v7 =	vld [tilespmem:s13+$0x2780];
	_ =	sdelay $0x7  }
0x111: {  	v7 =	vld.idx.msk [tilespmem:v7+s6+$0x0], $0xffff;
	_ =	sdelay $0x4  }
0x112: {  	[tilespmem:$0xE500] =	vst v7  }
0x113: {  	v7 =	vld [tilespmem:s13+$0x2790];
	_ =	sdelay $0x7  }
0x114: {  	v7 =	vld.idx.msk [tilespmem:v7+s6+$0x0], $0xffff;
	_ =	sdelay $0x4  }
0x115: {  	[tilespmem:$0xE510] =	vst v7  }
0x116: {  	v7 =	vld [tilespmem:s13+$0x27A0];
	_ =	sdelay $0x7  }
0x117: {  	v7 =	vld.idx.msk [tilespmem:v7+s6+$0x0], $0xffff;
	_ =	sdelay $0x4  }
0x118: {  	[tilespmem:$0xE520] =	vst v7  }
0x119: {  	v7 =	vld [tilespmem:s13+$0x27B0];
	_ =	sdelay $0x7  }
0x11a: {  	v7 =	vld.idx.msk [tilespmem:v7+s6+$0x0], $0xffff;
	_ =	sdelay $0x4  }
0x11b: {  	[tilespmem:$0xE530] =	vst v7  }
0x11c: {  	v7 =	vld [tilespmem:s13+$0x27C0];
	_ =	sdelay $0x7  }
0x11d: {  	v7 =	vld.idx.msk [tilespmem:v7+s6+$0x0], $0xffff;
	_ =	sdelay $0x4  }
0x11e: {  	[tilespmem:$0xE540] =	vst v7  }
0x11f: {  	v7 =	vld [tilespmem:s13+$0x27D0];
	_ =	sdelay $0x7  }
0x120: {  	v7 =	vld.idx.msk [tilespmem:v7+s6+$0x0], $0xffff;
	_ =	sdelay $0x4  }
0x121: {  	[tilespmem:$0xE550] =	vst v7  }
0x122: {  	v7 =	vld [tilespmem:s13+$0x27E0];
	_ =	sdelay $0x7  }
0x123: {  	v7 =	vld.idx.msk [tilespmem:v7+s6+$0x0], $0xffff;
	_ =	sdelay $0x4  }
0x124: {  	[tilespmem:$0xE560] =	vst v7  }
0x125: {  	v7 =	vld [tilespmem:s13+$0x27F0];
	_ =	sdelay $0x7  }
0x126: {  	v7 =	vld.idx.msk [tilespmem:v7+s6+$0x0], $0xffff;
	_ =	sdelay $0x4  }
0x127: {  	s18 =	rddreg [dreg:$0x6];
	[tilespmem:$0xE570] =	vst v7  }
0x128: {  	[tilespmem:s12], [sflag:$0x2] =	stream.linear.gather [spmem:s18], $0x800, $0x38;
	[tilespmem:$0x13280] =	vst v63  }
0x129: {  	_ =	swait.ge [sflag:s22], $0x800  }
0x12a: {  	[sflag:s22] =	ssyncset.done $0x0  }
0x12b: {  	[sflag:s22] =	ssyncadd.s32 $0xFFFFF800  }
0x12c: {  	v7 =	vld [tilespmem:$0xE500];
	_ =	sdelay $0x5  }
0x12d: {  	v8 =	vld [tilespmem:$0xE510];
	_ =	sdelay $0x1  }
0x12e: {  	v7 =	vld.idx.msk [tilespmem:v7+s12+$0x0], $0xffff;
	_ =	sdelay $0x3  }
0x12f: {  	v9 =	vld [tilespmem:$0xE520]  }
0x130: {  	[tilespmem:$0xE480] =	vst v7  }
0x131: {  	v7 =	vld.idx.msk [tilespmem:v8+s12+$0x0], $0xffff;
	_ =	sdelay $0x3  }
0x132: {  	v8 =	vld [tilespmem:$0xE530]  }
0x133: {  	[tilespmem:$0xE490] =	vst v7  }
0x134: {  	v7 =	vld.idx.msk [tilespmem:v9+s12+$0x0], $0xffff;
	_ =	sdelay $0x3  }
0x135: {  	v62 =	vld [tilespmem:$0xE540]  }
0x136: {  	[tilespmem:$0xE4A0] =	vst v7  }
0x137: {  	v7 =	vld.idx.msk [tilespmem:v8+s12+$0x0], $0xffff;
	_ =	sdelay $0x3  }
0x138: {  	v8 =	vld [tilespmem:$0xE550]  }
0x139: {  	[tilespmem:$0xE4B0] =	vst v7  }
0x13a: {  	v7 =	vld.idx.msk [tilespmem:v62+s12+$0x0], $0xffff;
	_ =	sdelay $0x3  }
0x13b: {  	v63 =	vld [tilespmem:$0xE560]  }
0x13c: {  	[tilespmem:$0xE4C0] =	vst v7  }
0x13d: {  	v7 =	vld.idx.msk [tilespmem:v8+s12+$0x0], $0xffff;
	_ =	sdelay $0x3  }
0x13e: {  	v8 =	vld [tilespmem:$0xE570]  }
0x13f: {  	[tilespmem:$0xE4D0] =	vst v7  }
0x140: {  	v7 =	vld.idx.msk [tilespmem:v63+s12+$0x0], $0xffff;
	_ =	sdelay $0x4  }
0x141: {  	[tilespmem:$0xE4E0] =	vst v7  }
0x142: {  	v7 =	vld.idx.msk [tilespmem:v8+s12+$0x0], $0xffff;
	_ =	sdelay $0x4  }
0x143: {  	s20 =	simm.s32 $0xE500;
	[tilespmem:$0xE4F0] =	vst v7  }
0x144: {  	[tilespmem:s29], [sflag:$0x2] =	stream.indirect.gather [spmem:s3], $0x80, s20, s28, $0xb8;
	[tilespmem:$0x13280] =	vst v63  }
0x145: {  	_ =	swait.ge [sflag:s22], $0x4000  }
0x146: {  	[sflag:s22] =	ssyncset.done $0x0  }
0x147: {  	s16 =	rddreg [dreg:$0xe];
	[sflag:s22] =	ssyncadd.s32 $0xFFFFC000  }
0x148: {  	[hbm4b:s16+s6] =	stream.linear.scatter [tilespmem:s29], [sflag:$0x2], $0x4000, $0x38;
	[tilespmem:$0x13280] =	vst v63  }
0x149: {  	_ =	swait.ge [sflag:s22], $0x4000  }
0x14a: {  	[sflag:s22] =	ssyncset.done $0x0  }
0x14b: {  	s18 =	simm.s32 $0xE480;
	s17 =	rddreg [dreg:$0xf];
	[sflag:s22] =	ssyncadd.s32 $0xFFFFC000  }
0x14c: {  	[hbm4b:s17+s6] =	stream.linear.scatter [tilespmem:s18], [sflag:$0x2], $0x80, $0x38;
	[tilespmem:$0x13280] =	vst v63  }
0x14d: {  	_ =	swait.ge [sflag:s22], $0x80  }
0x14e: {  	s14 =	sadd.s32 $0x1, s14;
	s20 =	rddreg [dreg:$0x10]  }
0x14f: {  	p0 =	sne.s32 s14, s20  }
.Ltmp11:
0x150: {  	_ = 	snop;
	(pc) =	sbr.rel @p0 .LBB2_1-.Ltmp11, $3  }
0x151: {  	_ =	sdelay $0x1  }
0x152: {  	[sflag:s22] =	ssyncset.done $0x0  }
0x153: {  	[sflag:s22] =	ssyncadd.s32 $0xFFFFFF80  }
0x154: {  	_ =	sfence.sel $0x180000  }
0x155: {  	[bflag:$0x0] =	sbarrier.arrive $0xFFFF  }
0x156: {  	_ =	strace $0x90000047  }
0x157: {  	s0 =	stileid.u32;
	[bflag:$0x2] =	sbarrier.arrive $0xFFFF  }
0x158: {  	p0 =	sne.s32 s0, $0x0;
	s0 =	rddreg [dreg:$0x7]  }
0x159: {  	s0 =	sadd.s32 @!p0 $0x100000, s0  }
0x15a: {  	[sflag:s0] =	ssyncadd.tile.s32 @!p0 $0x1;
	_ =	shalt  }
.Lfunc_end2:
_tile_overlayer_lowered:
.L_overlay_start_2:
0x15b: {  	(tag) =	ssettag $0x2  }
0x15c: {  	s0 =	rddreg [dreg:$0x0];
	s2 =	stileid.u32  }
0x15d: {  	s1 =	rddreg [dreg:$0x1];
	p0 =	sne.s32 s2, $0x0  }
0x15e: {  	s3 =	rddreg [dreg:$0x2];
	[bflag:$0x3] =	sbarrier.arrive $0xFFFF;
	s2 =	simm.s32 @!p0 $0x1C02  }
0x15f: {  	[timem:s3], [sflag:s2] =	dma.local @!p0 [hbm:s0], s1  }
0x160: {  	s0 =	simm.s32 @!p0 $0x2  }
0x161: {  	_ =	swait.ge @!p0 [sflag:s0], s1  }
0x162: {  	s1 =	ssub.s32 @!p0 $0x0, s1;
	[sflag:s0] =	ssyncset.done @!p0 $0x0  }
0x163: {  	[sflag:s0] =	ssyncadd.s32 @!p0 s1  }
0x164: {  	[bflag:$0x3] =	sbarrier.arrive $0xFFFF  }
0x165: {  	_ =	shalt  }

</sc_bundles>
